<compile_context>
chip_gen: v7x
topology: tpu7x:2x2x1
jax: 0.10.2.dev20260603
libtpu: 0.0.44.dev20260713+nightly
codegen_flags: <defaults>
</compile_context>

<pallas_src>
import functools

import jax
import jax.numpy as jnp
import numpy as np
from jax import lax
from jax.experimental import pallas as pl
from jax.experimental.pallas import tpu as pltpu
from jax.experimental.pallas import tpu_sc as plsc

N, D = 10000, 128
NC, NS = 2, 16
NW = NC * NS
CHUNK = 128
CPT0 = 80
CPT1 = 80
SS = 40
TOT_CHUNKS = NS * (CPT0 + CPT1)
E_PAD = TOT_CHUNKS * CHUNK
N_PAD = 10112
ROWS_PER_SUB = N_PAD // NS
DUMP = N


def _sc_agg_body(edge_hbm, x_hbm, out_hbm, rowv, colv, gb0, gb1, agg,
                 sem0, sem1):
    c = lax.axis_index("c")
    s = lax.axis_index("s")
    base = jnp.where(c == 0, s * CPT0, NS * CPT0 + s * CPT1)
    nstages = jnp.where(c == 0, CPT0 // SS, CPT1 // SS)

    @pl.loop(0, CHUNK)
    def _zero(i):
        for j in range(CHUNK // 16):
            gb0[i, pl.ds(j * 16, 16)] = jnp.zeros((16,), jnp.float32)

    nfull, tail = divmod(ROWS_PER_SUB, CHUNK)
    for r in range(nfull):
        pltpu.sync_copy(gb0, agg.at[pl.ds(s * ROWS_PER_SUB + r * CHUNK, CHUNK)])
    if tail:
        pltpu.sync_copy(gb0.at[pl.ds(0, tail)],
                        agg.at[pl.ds(s * ROWS_PER_SUB + nfull * CHUNK, tail)])
    plsc.subcore_barrier()

    @pl.loop(0, nstages)
    def _stage(st):
        pltpu.sync_copy(edge_hbm.at[0, pl.ds(base + st * SS, SS)], rowv)
        pltpu.sync_copy(edge_hbm.at[1, pl.ds(base + st * SS, SS)], colv)

        @pl.loop(0, SS)
        def _mask(i):
            for j in range(CHUNK // 16):
                sl = pl.ds(j * 16, 16)
                r = rowv[i, sl]
                cc = colv[i, sl]
                dumpv = DUMP + (i % 6) * 16 + lax.iota(jnp.int32, 16)
                rowv[i, sl] = jnp.where(r == cc, dumpv, r)

        pltpu.async_copy(x_hbm.at[colv.at[0]], gb0, sem0)
        pltpu.async_copy(x_hbm.at[colv.at[1]], gb1, sem1)

        @pl.loop(0, SS, step=2)
        def _main(j):
            pltpu.make_async_copy(x_hbm.at[pl.ds(0, CHUNK)], gb0, sem0).wait()
            pltpu.sync_copy(gb0, agg.at[rowv.at[j]], add=True)

            @pl.when(j + 2 < SS)
            def _():
                pltpu.async_copy(x_hbm.at[colv.at[j + 2]], gb0, sem0)

            pltpu.make_async_copy(x_hbm.at[pl.ds(0, CHUNK)], gb1, sem1).wait()
            pltpu.sync_copy(gb1, agg.at[rowv.at[j + 1]], add=True)

            @pl.when(j + 3 < SS)
            def _():
                pltpu.async_copy(x_hbm.at[colv.at[j + 3]], gb1, sem1)

    plsc.subcore_barrier()
    pltpu.sync_copy(agg.at[pl.ds(s * ROWS_PER_SUB, ROWS_PER_SUB)],
                    out_hbm.at[c, pl.ds(s * ROWS_PER_SUB, ROWS_PER_SUB)])


_sc_aggregate = pl.kernel(
    _sc_agg_body,
    out_type=jax.ShapeDtypeStruct((NC, N_PAD, D), jnp.float32),
    mesh=plsc.VectorSubcoreMesh(core_axis_name="c", subcore_axis_name="s"),
    scratch_types=[
        pltpu.VMEM((SS, CHUNK), jnp.int32),
        pltpu.VMEM((SS, CHUNK), jnp.int32),
        pltpu.VMEM((CHUNK, D), jnp.float32),
        pltpu.VMEM((CHUNK, D), jnp.float32),
        pltpu.VMEM_SHARED((N_PAD, D), jnp.float32),
        pltpu.SemaphoreType.DMA,
        pltpu.SemaphoreType.DMA,
    ],
)


def _tc_mlp_body(x_ref, agg_ref, w1_ref, b1_ref, w2_ref, b2_ref, g_ref, be_ref,
                 out_ref):
    h = x_ref[...] + agg_ref[0, :N, :] + agg_ref[1, :N, :]
    h = jax.lax.dot_general(h, w1_ref[...], (((1,), (0,)), ((), ())),
                            preferred_element_type=jnp.float32)
    h = jnp.maximum(h + b1_ref[...], 0.0)
    h = jax.lax.dot_general(h, w2_ref[...], (((1,), (0,)), ((), ())),
                            preferred_element_type=jnp.float32)
    h = jnp.maximum(h + b2_ref[...], 0.0)
    m = jnp.mean(h, axis=0, keepdims=True)
    v = jnp.mean(jnp.square(h - m), axis=0, keepdims=True)
    out_ref[...] = g_ref[...] * (h - m) * jax.lax.rsqrt(v + 1e-5) + be_ref[...]


_tc_mlp = pl.pallas_call(
    _tc_mlp_body,
    out_shape=jax.ShapeDtypeStruct((N, D), jnp.float32),
)


@jax.jit
def kernel(x, edge_index, W1, b1, W2, b2, gamma, beta):
    e = edge_index.shape[1]
    pad = E_PAD - e
    pad_blk = jnp.asarray(np.stack([
        DUMP + (np.arange(pad) % (N_PAD - N)),
        np.arange(pad) % N,
    ]).reshape(2, pad // CHUNK, CHUNK), jnp.int32)
    edge_p = jnp.concatenate(
        [edge_index.reshape(2, e // CHUNK, CHUNK), pad_blk], axis=1)
    agg = _sc_aggregate(edge_p, x)
    return _tc_mlp(x, agg, W1, b1.reshape(1, D), W2, b2.reshape(1, D),
                   gamma.reshape(1, D), beta.reshape(1, D))

# --- scband reference (transcript-rebuilt; emitter-appended) ---
"""Pipeline reference for scband-ginlayer-24120536334770 (READ-ONLY COPY).

The authoritative reference and input builder live on the scoring server;
editing this copy changes nothing except your own understanding.
"""

import jax, jax.numpy as jnp
import numpy as np

N, D, E = 10000, 128, 320000

def setup_inputs(seed: int = 0):
    key = jax.random.key(seed)
    ks = jax.random.split(key, 8)
    x = jax.random.normal(ks[0], (N, D), dtype=jnp.float32)
    edge_index = jax.random.randint(ks[1], (2, E), 0, N, dtype=jnp.int32)
    W1 = jax.random.normal(ks[2], (D, D), dtype=jnp.float32) * 0.05
    b1 = jnp.zeros((D,), dtype=jnp.float32)
    W2 = jax.random.normal(ks[3], (D, D), dtype=jnp.float32) * 0.05
    b2 = jnp.zeros((D,), dtype=jnp.float32)
    gamma = jnp.ones((D,), dtype=jnp.float32)
    beta = jnp.zeros((D,), dtype=jnp.float32)
    return {"x": x, "edge_index": edge_index, "W1": W1, "b1": b1, "W2": W2, "b2": b2, "gamma": gamma, "beta": beta}

def reference(x, edge_index, W1, b1, W2, b2, gamma, beta):
    row = edge_index[0]
    col = edge_index[1]
    # remove_self_loops: zero out contributions from edges where row == col
    mask = (row != col)
    x_j = jnp.where(mask[:, None], jnp.take(x, col, axis=0), 0.0)
    # scatter_add over destination (row), dim_size = N
    agg = jax.ops.segment_sum(x_j, row, num_segments=x.shape[0])
    h = x + agg
    # MLP: Linear -> ReLU -> Linear -> ReLU -> BatchNorm1d (training-mode batch stats)
    h = jax.nn.relu(h @ W1 + b1)
    h = jax.nn.relu(h @ W2 + b2)
    mean = jnp.mean(h, axis=0)
    var = jnp.var(h, axis=0)
    out = gamma * (h - mean) / jnp.sqrt(var + 1e-5) + beta
    return out

if False:  # reference __main__ guard neutralized (emitter)
    inp = setup_inputs()
    out = reference(**inp)
    print(out.shape, out.dtype)

if __name__ == "__main__":
    import jax
    _d = setup_inputs()
    print(jax.jit(kernel)(*tuple(_d.values())))

</pallas_src>

<mosaic_0001>
#map = affine_map<(d0, d1) -> (0, 0, 0)>
#map1 = affine_map<(d0, d1) -> (0, 0)>
module attributes {stable_mosaic.version = 14 : i64} {
  func.func @_sc_agg_body(%arg0: i32, %arg1: i32, %arg2: memref<2x2560x128xi32, #tpu.memory_space<hbm>>, %arg3: memref<10000x128xf32, #tpu.memory_space<hbm>>, %arg4: memref<2x10112x128xf32, #tpu.memory_space<hbm>>, %arg5: memref<40x128xi32, #tpu.memory_space<vmem>>, %arg6: memref<40x128xi32, #tpu.memory_space<vmem>>, %arg7: memref<128x128xf32, #tpu.memory_space<vmem>>, %arg8: memref<128x128xf32, #tpu.memory_space<vmem>>, %arg9: memref<10112x128xf32, #tpu.memory_space<vmem_shared>>, %arg10: memref<!tpu.dma_semaphore, #tpu.memory_space<semaphore_mem>>, %arg11: memref<!tpu.dma_semaphore, #tpu.memory_space<semaphore_mem>>) attributes {dimension_semantics = [#tpu.dimension_semantics<core_parallel>, #tpu.dimension_semantics<subcore_parallel>], iteration_bounds = array<i64: 2, 16>, scalar_prefetch = 0 : i64, scratch_operands = 7 : i64, tpu.core_type = #tpu.core_type<sc_vector_subcore>, window_params = [{transform_indices = #map}, {transform_indices = #map1}, {transform_indices = #map}]} {
    %eq3A = arith.constant 0 : i32
    %eq3A_0 = arith.cmpi eq, %arg0, %eq3A : i32
    %mul3A = arith.constant 80 : i32
    %mul3A_1 = arith.muli %arg1, %mul3A : i32
    %mul3A_2 = arith.constant 80 : i32
    %mul3A_3 = arith.muli %arg1, %mul3A_2 : i32
    %add3A = arith.constant 1280 : i32
    %add3A_4 = arith.addi %add3A, %mul3A_3 : i32
    %select_n3A = arith.select %eq3A_0, %mul3A_1, %add3A_4 : i32
    %eq3A_5 = arith.constant 0 : i32
    %eq3A_6 = arith.cmpi eq, %arg0, %eq3A_5 : i32
    %jit3A = arith.constant 2 : i32
    %jit3A_7 = arith.constant 2 : i32
    %select_n3A_8 = arith.select %eq3A_6, %jit3A, %jit3A_7 : i32
    %scan3A = arith.constant 0 : i32
    %scan3A_9 = arith.constant 128 : i32
    %scan3A_10 = arith.addi %scan3A, %scan3A_9 : i32
    %scan3A_11 = arith.constant 1 : i32
    scf.for %scan3A_54 = %scan3A to %scan3A_10 step %scan3A_11  : i32 {
      %mul3A_55 = arith.constant 1 : i32
      %mul3A_56 = arith.muli %scan3A_54, %mul3A_55 : i32
      %add3A_57 = arith.constant 0 : i32
      %add3A_58 = arith.addi %add3A_57, %mul3A_56 : i32
      %broadcast_in_dim3A = arith.constant 0.000000e+00 : f32
      %broadcast_in_dim3A_59 = vector.broadcast %broadcast_in_dim3A : f32 to vector<16xf32>
      %swap3A = arith.index_cast %add3A_58 : i32 to index
      %swap3A_60 = arith.constant 0 : index
      %swap3A_61 = tpu.vector_load %arg7[%swap3A, %swap3A_60] {strides = array<i32>} : memref<128x128xf32, #tpu.memory_space<vmem>>, vector<1x16xf32>,
      %swap3A_62 = vector.shape_cast %swap3A_61 : vector<1x16xf32> to vector<16xf32>
      %swap3A_63 = vector.shape_cast %broadcast_in_dim3A_59 : vector<16xf32> to vector<1x16xf32>
      tpu.vector_store %arg7[%swap3A, %swap3A_60], %swap3A_63 {strides = array<i32>} : memref<128x128xf32, #tpu.memory_space<vmem>>, vector<1x16xf32>,
      %broadcast_in_dim3A_64 = arith.constant 0.000000e+00 : f32
      %broadcast_in_dim3A_65 = vector.broadcast %broadcast_in_dim3A_64 : f32 to vector<16xf32>
      %swap3A_66 = arith.index_cast %add3A_58 : i32 to index
      %swap3A_67 = arith.constant 16 : index
      %swap3A_68 = tpu.vector_load %arg7[%swap3A_66, %swap3A_67] {strides = array<i32>} : memref<128x128xf32, #tpu.memory_space<vmem>>, vector<1x16xf32>,
      %swap3A_69 = vector.shape_cast %swap3A_68 : vector<1x16xf32> to vector<16xf32>
      %swap3A_70 = vector.shape_cast %broadcast_in_dim3A_65 : vector<16xf32> to vector<1x16xf32>
      tpu.vector_store %arg7[%swap3A_66, %swap3A_67], %swap3A_70 {strides = array<i32>} : memref<128x128xf32, #tpu.memory_space<vmem>>, vector<1x16xf32>,
      %broadcast_in_dim3A_71 = arith.constant 0.000000e+00 : f32
      %broadcast_in_dim3A_72 = vector.broadcast %broadcast_in_dim3A_71 : f32 to vector<16xf32>
      %swap3A_73 = arith.index_cast %add3A_58 : i32 to index
      %swap3A_74 = arith.constant 32 : index
      %swap3A_75 = tpu.vector_load %arg7[%swap3A_73, %swap3A_74] {strides = array<i32>} : memref<128x128xf32, #tpu.memory_space<vmem>>, vector<1x16xf32>,
      %swap3A_76 = vector.shape_cast %swap3A_75 : vector<1x16xf32> to vector<16xf32>
      %swap3A_77 = vector.shape_cast %broadcast_in_dim3A_72 : vector<16xf32> to vector<1x16xf32>
      tpu.vector_store %arg7[%swap3A_73, %swap3A_74], %swap3A_77 {strides = array<i32>} : memref<128x128xf32, #tpu.memory_space<vmem>>, vector<1x16xf32>,
      %broadcast_in_dim3A_78 = arith.constant 0.000000e+00 : f32
      %broadcast_in_dim3A_79 = vector.broadcast %broadcast_in_dim3A_78 : f32 to vector<16xf32>
      %swap3A_80 = arith.index_cast %add3A_58 : i32 to index
      %swap3A_81 = arith.constant 48 : index
      %swap3A_82 = tpu.vector_load %arg7[%swap3A_80, %swap3A_81] {strides = array<i32>} : memref<128x128xf32, #tpu.memory_space<vmem>>, vector<1x16xf32>,
      %swap3A_83 = vector.shape_cast %swap3A_82 : vector<1x16xf32> to vector<16xf32>
      %swap3A_84 = vector.shape_cast %broadcast_in_dim3A_79 : vector<16xf32> to vector<1x16xf32>
      tpu.vector_store %arg7[%swap3A_80, %swap3A_81], %swap3A_84 {strides = array<i32>} : memref<128x128xf32, #tpu.memory_space<vmem>>, vector<1x16xf32>,
      %broadcast_in_dim3A_85 = arith.constant 0.000000e+00 : f32
      %broadcast_in_dim3A_86 = vector.broadcast %broadcast_in_dim3A_85 : f32 to vector<16xf32>
      %swap3A_87 = arith.index_cast %add3A_58 : i32 to index
      %swap3A_88 = arith.constant 64 : index
      %swap3A_89 = tpu.vector_load %arg7[%swap3A_87, %swap3A_88] {strides = array<i32>} : memref<128x128xf32, #tpu.memory_space<vmem>>, vector<1x16xf32>,
      %swap3A_90 = vector.shape_cast %swap3A_89 : vector<1x16xf32> to vector<16xf32>
      %swap3A_91 = vector.shape_cast %broadcast_in_dim3A_86 : vector<16xf32> to vector<1x16xf32>
      tpu.vector_store %arg7[%swap3A_87, %swap3A_88], %swap3A_91 {strides = array<i32>} : memref<128x128xf32, #tpu.memory_space<vmem>>, vector<1x16xf32>,
      %broadcast_in_dim3A_92 = arith.constant 0.000000e+00 : f32
      %broadcast_in_dim3A_93 = vector.broadcast %broadcast_in_dim3A_92 : f32 to vector<16xf32>
      %swap3A_94 = arith.index_cast %add3A_58 : i32 to index
      %swap3A_95 = arith.constant 80 : index
      %swap3A_96 = tpu.vector_load %arg7[%swap3A_94, %swap3A_95] {strides = array<i32>} : memref<128x128xf32, #tpu.memory_space<vmem>>, vector<1x16xf32>,
      %swap3A_97 = vector.shape_cast %swap3A_96 : vector<1x16xf32> to vector<16xf32>
      %swap3A_98 = vector.shape_cast %broadcast_in_dim3A_93 : vector<16xf32> to vector<1x16xf32>
      tpu.vector_store %arg7[%swap3A_94, %swap3A_95], %swap3A_98 {strides = array<i32>} : memref<128x128xf32, #tpu.memory_space<vmem>>, vector<1x16xf32>,
      %broadcast_in_dim3A_99 = arith.constant 0.000000e+00 : f32
      %broadcast_in_dim3A_100 = vector.broadcast %broadcast_in_dim3A_99 : f32 to vector<16xf32>
      %swap3A_101 = arith.index_cast %add3A_58 : i32 to index
      %swap3A_102 = arith.constant 96 : index
      %swap3A_103 = tpu.vector_load %arg7[%swap3A_101, %swap3A_102] {strides = array<i32>} : memref<128x128xf32, #tpu.memory_space<vmem>>, vector<1x16xf32>,
      %swap3A_104 = vector.shape_cast %swap3A_103 : vector<1x16xf32> to vector<16xf32>
      %swap3A_105 = vector.shape_cast %broadcast_in_dim3A_100 : vector<16xf32> to vector<1x16xf32>
      tpu.vector_store %arg7[%swap3A_101, %swap3A_102], %swap3A_105 {strides = array<i32>} : memref<128x128xf32, #tpu.memory_space<vmem>>, vector<1x16xf32>,
      %broadcast_in_dim3A_106 = arith.constant 0.000000e+00 : f32
      %broadcast_in_dim3A_107 = vector.broadcast %broadcast_in_dim3A_106 : f32 to vector<16xf32>
      %swap3A_108 = arith.index_cast %add3A_58 : i32 to index
      %swap3A_109 = arith.constant 112 : index
      %swap3A_110 = tpu.vector_load %arg7[%swap3A_108, %swap3A_109] {strides = array<i32>} : memref<128x128xf32, #tpu.memory_space<vmem>>, vector<1x16xf32>,
      %swap3A_111 = vector.shape_cast %swap3A_110 : vector<1x16xf32> to vector<16xf32>
      %swap3A_112 = vector.shape_cast %broadcast_in_dim3A_107 : vector<16xf32> to vector<1x16xf32>
      tpu.vector_store %arg7[%swap3A_108, %swap3A_109], %swap3A_112 {strides = array<i32>} : memref<128x128xf32, #tpu.memory_space<vmem>>, vector<1x16xf32>,
    }
    %scan3A_12 = arith.constant 128 : i32
    %mul3A_13 = arith.constant 632 : i32
    %mul3A_14 = arith.muli %arg1, %mul3A_13 : i32
    %add3A_15 = arith.constant 0 : i32
    %add3A_16 = arith.addi %mul3A_14, %add3A_15 : i32
    "tpu.region"() ({
      %run_scoped3A = tpu.sem_alloc : memref<!tpu.dma_semaphore, #tpu.memory_space<semaphore_mem>>
      %dma_start3A = arith.constant 0 : i32
      %dma_start3A_54 = tpu.memref_slice %arg9[%add3A_16, %dma_start3A] : memref<10112x128xf32, #tpu.memory_space<vmem_shared>> -> memref<128x128xf32, #tpu.memory_space<vmem_shared>>
      %dma_start3A_55 = arith.constant 0 : i32
      %dma_start3A_56 = tpu.memref_slice %arg9[%add3A_16, %dma_start3A_55] : memref<10112x128xf32, #tpu.memory_space<vmem_shared>> -> memref<128x128xf32, #tpu.memory_space<vmem_shared>>
      tpu.enqueue_dma source(%arg7 : memref<128x128xf32, #tpu.memory_space<vmem>>) target(%dma_start3A_56 : memref<128x128xf32, #tpu.memory_space<vmem_shared>>) target_semaphore(%run_scoped3A : memref<!tpu.dma_semaphore, #tpu.memory_space<semaphore_mem>>)
      %dma_wait3A = arith.constant 0 : i32
      %dma_wait3A_57 = tpu.memref_slice %arg9[%add3A_16, %dma_wait3A] : memref<10112x128xf32, #tpu.memory_space<vmem_shared>> -> memref<128x128xf32, #tpu.memory_space<vmem_shared>>
      %dma_wait3A_58 = arith.constant 0 : i32
      %dma_wait3A_59 = tpu.memref_slice %arg9[%add3A_16, %dma_wait3A_58] : memref<10112x128xf32, #tpu.memory_space<vmem_shared>> -> memref<128x128xf32, #tpu.memory_space<vmem_shared>>
      tpu.wait_dma2 semaphore(%run_scoped3A : memref<!tpu.dma_semaphore, #tpu.memory_space<semaphore_mem>>) src(%arg7 : memref<128x128xf32, #tpu.memory_space<vmem>>) dst(%dma_wait3A_59 : memref<128x128xf32, #tpu.memory_space<vmem_shared>>)
      tpu.yield
    }) : () -> ()
    %mul3A_17 = arith.constant 632 : i32
    %mul3A_18 = arith.muli %arg1, %mul3A_17 : i32
    %add3A_19 = arith.constant 128 : i32
    %add3A_20 = arith.addi %mul3A_18, %add3A_19 : i32
    "tpu.region"() ({
      %run_scoped3A = tpu.sem_alloc : memref<!tpu.dma_semaphore, #tpu.memory_space<semaphore_mem>>
      %dma_start3A = arith.constant 0 : i32
      %dma_start3A_54 = tpu.memref_slice %arg9[%add3A_20, %dma_start3A] : memref<10112x128xf32, #tpu.memory_space<vmem_shared>> -> memref<128x128xf32, #tpu.memory_space<vmem_shared>>
      %dma_start3A_55 = arith.constant 0 : i32
      %dma_start3A_56 = tpu.memref_slice %arg9[%add3A_20, %dma_start3A_55] : memref<10112x128xf32, #tpu.memory_space<vmem_shared>> -> memref<128x128xf32, #tpu.memory_space<vmem_shared>>
      tpu.enqueue_dma source(%arg7 : memref<128x128xf32, #tpu.memory_space<vmem>>) target(%dma_start3A_56 : memref<128x128xf32, #tpu.memory_space<vmem_shared>>) target_semaphore(%run_scoped3A : memref<!tpu.dma_semaphore, #tpu.memory_space<semaphore_mem>>)
      %dma_wait3A = arith.constant 0 : i32
      %dma_wait3A_57 = tpu.memref_slice %arg9[%add3A_20, %dma_wait3A] : memref<10112x128xf32, #tpu.memory_space<vmem_shared>> -> memref<128x128xf32, #tpu.memory_space<vmem_shared>>
      %dma_wait3A_58 = arith.constant 0 : i32
      %dma_wait3A_59 = tpu.memref_slice %arg9[%add3A_20, %dma_wait3A_58] : memref<10112x128xf32, #tpu.memory_space<vmem_shared>> -> memref<128x128xf32, #tpu.memory_space<vmem_shared>>
      tpu.wait_dma2 semaphore(%run_scoped3A : memref<!tpu.dma_semaphore, #tpu.memory_space<semaphore_mem>>) src(%arg7 : memref<128x128xf32, #tpu.memory_space<vmem>>) dst(%dma_wait3A_59 : memref<128x128xf32, #tpu.memory_space<vmem_shared>>)
      tpu.yield
    }) : () -> ()
    %mul3A_21 = arith.constant 632 : i32
    %mul3A_22 = arith.muli %arg1, %mul3A_21 : i32
    %add3A_23 = arith.constant 256 : i32
    %add3A_24 = arith.addi %mul3A_22, %add3A_23 : i32
    "tpu.region"() ({
      %run_scoped3A = tpu.sem_alloc : memref<!tpu.dma_semaphore, #tpu.memory_space<semaphore_mem>>
      %dma_start3A = arith.constant 0 : i32
      %dma_start3A_54 = tpu.memref_slice %arg9[%add3A_24, %dma_start3A] : memref<10112x128xf32, #tpu.memory_space<vmem_shared>> -> memref<128x128xf32, #tpu.memory_space<vmem_shared>>
      %dma_start3A_55 = arith.constant 0 : i32
      %dma_start3A_56 = tpu.memref_slice %arg9[%add3A_24, %dma_start3A_55] : memref<10112x128xf32, #tpu.memory_space<vmem_shared>> -> memref<128x128xf32, #tpu.memory_space<vmem_shared>>
      tpu.enqueue_dma source(%arg7 : memref<128x128xf32, #tpu.memory_space<vmem>>) target(%dma_start3A_56 : memref<128x128xf32, #tpu.memory_space<vmem_shared>>) target_semaphore(%run_scoped3A : memref<!tpu.dma_semaphore, #tpu.memory_space<semaphore_mem>>)
      %dma_wait3A = arith.constant 0 : i32
      %dma_wait3A_57 = tpu.memref_slice %arg9[%add3A_24, %dma_wait3A] : memref<10112x128xf32, #tpu.memory_space<vmem_shared>> -> memref<128x128xf32, #tpu.memory_space<vmem_shared>>
      %dma_wait3A_58 = arith.constant 0 : i32
      %dma_wait3A_59 = tpu.memref_slice %arg9[%add3A_24, %dma_wait3A_58] : memref<10112x128xf32, #tpu.memory_space<vmem_shared>> -> memref<128x128xf32, #tpu.memory_space<vmem_shared>>
      tpu.wait_dma2 semaphore(%run_scoped3A : memref<!tpu.dma_semaphore, #tpu.memory_space<semaphore_mem>>) src(%arg7 : memref<128x128xf32, #tpu.memory_space<vmem>>) dst(%dma_wait3A_59 : memref<128x128xf32, #tpu.memory_space<vmem_shared>>)
      tpu.yield
    }) : () -> ()
    %mul3A_25 = arith.constant 632 : i32
    %mul3A_26 = arith.muli %arg1, %mul3A_25 : i32
    %add3A_27 = arith.constant 384 : i32
    %add3A_28 = arith.addi %mul3A_26, %add3A_27 : i32
    "tpu.region"() ({
      %run_scoped3A = tpu.sem_alloc : memref<!tpu.dma_semaphore, #tpu.memory_space<semaphore_mem>>
      %dma_start3A = arith.constant 0 : i32
      %dma_start3A_54 = tpu.memref_slice %arg9[%add3A_28, %dma_start3A] : memref<10112x128xf32, #tpu.memory_space<vmem_shared>> -> memref<128x128xf32, #tpu.memory_space<vmem_shared>>
      %dma_start3A_55 = arith.constant 0 : i32
      %dma_start3A_56 = tpu.memref_slice %arg9[%add3A_28, %dma_start3A_55] : memref<10112x128xf32, #tpu.memory_space<vmem_shared>> -> memref<128x128xf32, #tpu.memory_space<vmem_shared>>
      tpu.enqueue_dma source(%arg7 : memref<128x128xf32, #tpu.memory_space<vmem>>) target(%dma_start3A_56 : memref<128x128xf32, #tpu.memory_space<vmem_shared>>) target_semaphore(%run_scoped3A : memref<!tpu.dma_semaphore, #tpu.memory_space<semaphore_mem>>)
      %dma_wait3A = arith.constant 0 : i32
      %dma_wait3A_57 = tpu.memref_slice %arg9[%add3A_28, %dma_wait3A] : memref<10112x128xf32, #tpu.memory_space<vmem_shared>> -> memref<128x128xf32, #tpu.memory_space<vmem_shared>>
      %dma_wait3A_58 = arith.constant 0 : i32
      %dma_wait3A_59 = tpu.memref_slice %arg9[%add3A_28, %dma_wait3A_58] : memref<10112x128xf32, #tpu.memory_space<vmem_shared>> -> memref<128x128xf32, #tpu.memory_space<vmem_shared>>
      tpu.wait_dma2 semaphore(%run_scoped3A : memref<!tpu.dma_semaphore, #tpu.memory_space<semaphore_mem>>) src(%arg7 : memref<128x128xf32, #tpu.memory_space<vmem>>) dst(%dma_wait3A_59 : memref<128x128xf32, #tpu.memory_space<vmem_shared>>)
      tpu.yield
    }) : () -> ()
    %mul3A_29 = arith.constant 632 : i32
    %mul3A_30 = arith.muli %arg1, %mul3A_29 : i32
    %add3A_31 = arith.constant 512 : i32
    %add3A_32 = arith.addi %mul3A_30, %add3A_31 : i32
    "tpu.region"() ({
      %run_scoped3A = tpu.sem_alloc : memref<!tpu.dma_semaphore, #tpu.memory_space<semaphore_mem>>
      %dma_start3A = arith.constant 0 : i32
      %dma_start3A_54 = arith.constant 0 : i32
      %dma_start3A_55 = tpu.memref_slice %arg7[%dma_start3A, %dma_start3A_54] : memref<128x128xf32, #tpu.memory_space<vmem>> -> memref<120x128xf32, #tpu.memory_space<vmem>>
      %dma_start3A_56 = arith.constant 0 : i32
      %dma_start3A_57 = tpu.memref_slice %arg9[%add3A_32, %dma_start3A_56] : memref<10112x128xf32, #tpu.memory_space<vmem_shared>> -> memref<120x128xf32, #tpu.memory_space<vmem_shared>>
      %dma_start3A_58 = arith.constant 0 : i32
      %dma_start3A_59 = tpu.memref_slice %arg9[%add3A_32, %dma_start3A_58] : memref<10112x128xf32, #tpu.memory_space<vmem_shared>> -> memref<120x128xf32, #tpu.memory_space<vmem_shared>>
      %dma_start3A_60 = arith.constant 0 : i32
      %dma_start3A_61 = arith.constant 0 : i32
      %dma_start3A_62 = tpu.memref_slice %arg7[%dma_start3A_60, %dma_start3A_61] : memref<128x128xf32, #tpu.memory_space<vmem>> -> memref<120x128xf32, #tpu.memory_space<vmem>>
      tpu.enqueue_dma source(%dma_start3A_62 : memref<120x128xf32, #tpu.memory_space<vmem>>) target(%dma_start3A_59 : memref<120x128xf32, #tpu.memory_space<vmem_shared>>) target_semaphore(%run_scoped3A : memref<!tpu.dma_semaphore, #tpu.memory_space<semaphore_mem>>)
      %dma_wait3A = arith.constant 0 : i32
      %dma_wait3A_63 = arith.constant 0 : i32
      %dma_wait3A_64 = tpu.memref_slice %arg7[%dma_wait3A, %dma_wait3A_63] : memref<128x128xf32, #tpu.memory_space<vmem>> -> memref<120x128xf32, #tpu.memory_space<vmem>>
      %dma_wait3A_65 = arith.constant 0 : i32
      %dma_wait3A_66 = tpu.memref_slice %arg9[%add3A_32, %dma_wait3A_65] : memref<10112x128xf32, #tpu.memory_space<vmem_shared>> -> memref<120x128xf32, #tpu.memory_space<vmem_shared>>
      %dma_wait3A_67 = arith.constant 0 : i32
      %dma_wait3A_68 = tpu.memref_slice %arg9[%add3A_32, %dma_wait3A_67] : memref<10112x128xf32, #tpu.memory_space<vmem_shared>> -> memref<120x128xf32, #tpu.memory_space<vmem_shared>>
      %dma_wait3A_69 = arith.constant 0 : i32
      %dma_wait3A_70 = arith.constant 0 : i32
      %dma_wait3A_71 = tpu.memref_slice %arg7[%dma_wait3A_69, %dma_wait3A_70] : memref<128x128xf32, #tpu.memory_space<vmem>> -> memref<120x128xf32, #tpu.memory_space<vmem>>
      tpu.wait_dma2 semaphore(%run_scoped3A : memref<!tpu.dma_semaphore, #tpu.memory_space<semaphore_mem>>) src(%dma_wait3A_71 : memref<120x128xf32, #tpu.memory_space<vmem>>) dst(%dma_wait3A_68 : memref<120x128xf32, #tpu.memory_space<vmem_shared>>)
      tpu.yield
    }) : () -> ()
    %barrier3A = arith.constant 0 : index
    tpu.barrier barrier_id(%barrier3A)
    %sub3A = arith.constant 0 : i32
    %sub3A_33 = arith.subi %select_n3A_8, %sub3A : i32
    %sub3A_34 = arith.constant 1 : i32
    %sub3A_35 = arith.constant 1 : i32
    %sub3A_36 = arith.subi %sub3A_34, %sub3A_35 : i32
    %add3A_37 = arith.addi %sub3A_33, %sub3A_36 : i32
    %div3A = arith.constant 1 : i32
    %div3A_38 = arith.divsi %add3A_37, %div3A : i32
    %while3A = arith.constant 1 : i32
    %while3A_39 = arith.constant 0 : i32
    %while3A_40 = arith.constant 0 : i32
    %while3A_41 = arith.subi %div3A_38, %while3A_40 : i32
    %while3A_42 = arith.addi %while3A_40, %while3A_41 : i32
    %while3A_43 = arith.constant 1 : i32
    %while3A_44 = arith.divsi %while3A_41, %while3A_43 : i32
    %while3A_45 = arith.muli %while3A_44, %while3A_43 : i32
    %while3A_46 = arith.addi %while3A_40, %while3A_45 : i32
    %while3A_47 = arith.constant 1 : i32
    scf.for %while3A_54 = %while3A_40 to %while3A_46 step %while3A_47  : i32 {
      %mul3A_55 = arith.muli %while3A_54, %while3A : i32
      %add3A_56 = arith.addi %while3A_39, %mul3A_55 : i32
      %mul3A_57 = arith.constant 40 : i32
      %mul3A_58 = arith.muli %add3A_56, %mul3A_57 : i32
      %add3A_59 = arith.addi %select_n3A, %mul3A_58 : i32
      %run_scoped3A = arith.constant 0 : i32
      "tpu.region"() ({
        %run_scoped3A_87 = tpu.sem_alloc : memref<!tpu.dma_semaphore, #tpu.memory_space<semaphore_mem>>
        %dma_start3A_88 = arith.constant 0 : i32
        %dma_start3A_89 = tpu.memref_slice %arg2[%run_scoped3A, %add3A_59, %dma_start3A_88] : memref<2x2560x128xi32, #tpu.memory_space<hbm>> -> memref<1x40x128xi32, #tpu.memory_space<hbm>>
        %dma_start3A_90 = tpu.memref_squeeze %dma_start3A_89 : memref<1x40x128xi32, #tpu.memory_space<hbm>> -> memref<40x128xi32, #tpu.memory_space<hbm>>
        %dma_start3A_91 = arith.constant 0 : i32
        %dma_start3A_92 = tpu.memref_slice %arg2[%run_scoped3A, %add3A_59, %dma_start3A_91] : memref<2x2560x128xi32, #tpu.memory_space<hbm>> -> memref<1x40x128xi32, #tpu.memory_space<hbm>>
        %dma_start3A_93 = tpu.memref_squeeze %dma_start3A_92 : memref<1x40x128xi32, #tpu.memory_space<hbm>> -> memref<40x128xi32, #tpu.memory_space<hbm>>
        tpu.enqueue_dma source(%dma_start3A_93 : memref<40x128xi32, #tpu.memory_space<hbm>>) target(%arg5 : memref<40x128xi32, #tpu.memory_space<vmem>>) target_semaphore(%run_scoped3A_87 : memref<!tpu.dma_semaphore, #tpu.memory_space<semaphore_mem>>)
        %dma_wait3A = arith.constant 0 : i32
        %dma_wait3A_94 = tpu.memref_slice %arg2[%run_scoped3A, %add3A_59, %dma_wait3A] : memref<2x2560x128xi32, #tpu.memory_space<hbm>> -> memref<1x40x128xi32, #tpu.memory_space<hbm>>
        %dma_wait3A_95 = tpu.memref_squeeze %dma_wait3A_94 : memref<1x40x128xi32, #tpu.memory_space<hbm>> -> memref<40x128xi32, #tpu.memory_space<hbm>>
        %dma_wait3A_96 = arith.constant 0 : i32
        %dma_wait3A_97 = tpu.memref_slice %arg2[%run_scoped3A, %add3A_59, %dma_wait3A_96] : memref<2x2560x128xi32, #tpu.memory_space<hbm>> -> memref<1x40x128xi32, #tpu.memory_space<hbm>>
        %dma_wait3A_98 = tpu.memref_squeeze %dma_wait3A_97 : memref<1x40x128xi32, #tpu.memory_space<hbm>> -> memref<40x128xi32, #tpu.memory_space<hbm>>
        tpu.wait_dma2 semaphore(%run_scoped3A_87 : memref<!tpu.dma_semaphore, #tpu.memory_space<semaphore_mem>>) src(%dma_wait3A_98 : memref<40x128xi32, #tpu.memory_space<hbm>>) dst(%arg5 : memref<40x128xi32, #tpu.memory_space<vmem>>)
        tpu.yield
      }) : () -> ()
      %mul3A_60 = arith.constant 40 : i32
      %mul3A_61 = arith.muli %add3A_56, %mul3A_60 : i32
      %add3A_62 = arith.addi %select_n3A, %mul3A_61 : i32
      %run_scoped3A_63 = arith.constant 1 : i32
      "tpu.region"() ({
        %run_scoped3A_87 = tpu.sem_alloc : memref<!tpu.dma_semaphore, #tpu.memory_space<semaphore_mem>>
        %dma_start3A_88 = arith.constant 0 : i32
        %dma_start3A_89 = tpu.memref_slice %arg2[%run_scoped3A_63, %add3A_62, %dma_start3A_88] : memref<2x2560x128xi32, #tpu.memory_space<hbm>> -> memref<1x40x128xi32, #tpu.memory_space<hbm>>
        %dma_start3A_90 = tpu.memref_squeeze %dma_start3A_89 : memref<1x40x128xi32, #tpu.memory_space<hbm>> -> memref<40x128xi32, #tpu.memory_space<hbm>>
        %dma_start3A_91 = arith.constant 0 : i32
        %dma_start3A_92 = tpu.memref_slice %arg2[%run_scoped3A_63, %add3A_62, %dma_start3A_91] : memref<2x2560x128xi32, #tpu.memory_space<hbm>> -> memref<1x40x128xi32, #tpu.memory_space<hbm>>
        %dma_start3A_93 = tpu.memref_squeeze %dma_start3A_92 : memref<1x40x128xi32, #tpu.memory_space<hbm>> -> memref<40x128xi32, #tpu.memory_space<hbm>>
        tpu.enqueue_dma source(%dma_start3A_93 : memref<40x128xi32, #tpu.memory_space<hbm>>) target(%arg6 : memref<40x128xi32, #tpu.memory_space<vmem>>) target_semaphore(%run_scoped3A_87 : memref<!tpu.dma_semaphore, #tpu.memory_space<semaphore_mem>>)
        %dma_wait3A = arith.constant 0 : i32
        %dma_wait3A_94 = tpu.memref_slice %arg2[%run_scoped3A_63, %add3A_62, %dma_wait3A] : memref<2x2560x128xi32, #tpu.memory_space<hbm>> -> memref<1x40x128xi32, #tpu.memory_space<hbm>>
        %dma_wait3A_95 = tpu.memref_squeeze %dma_wait3A_94 : memref<1x40x128xi32, #tpu.memory_space<hbm>> -> memref<40x128xi32, #tpu.memory_space<hbm>>
        %dma_wait3A_96 = arith.constant 0 : i32
        %dma_wait3A_97 = tpu.memref_slice %arg2[%run_scoped3A_63, %add3A_62, %dma_wait3A_96] : memref<2x2560x128xi32, #tpu.memory_space<hbm>> -> memref<1x40x128xi32, #tpu.memory_space<hbm>>
        %dma_wait3A_98 = tpu.memref_squeeze %dma_wait3A_97 : memref<1x40x128xi32, #tpu.memory_space<hbm>> -> memref<40x128xi32, #tpu.memory_space<hbm>>
        tpu.wait_dma2 semaphore(%run_scoped3A_87 : memref<!tpu.dma_semaphore, #tpu.memory_space<semaphore_mem>>) src(%dma_wait3A_98 : memref<40x128xi32, #tpu.memory_space<hbm>>) dst(%arg6 : memref<40x128xi32, #tpu.memory_space<vmem>>)
        tpu.yield
      }) : () -> ()
      %scan3A_64 = arith.constant 0 : i32
      %scan3A_65 = arith.constant 40 : i32
      %scan3A_66 = arith.addi %scan3A_64, %scan3A_65 : i32
      %scan3A_67 = arith.constant 1 : i32
      scf.for %scan3A_87 = %scan3A_64 to %scan3A_66 step %scan3A_67  : i32 {
        %mul3A_88 = arith.constant 1 : i32
        %mul3A_89 = arith.muli %scan3A_87, %mul3A_88 : i32
        %add3A_90 = arith.constant 0 : i32
        %add3A_91 = arith.addi %add3A_90, %mul3A_89 : i32
        %get3A = arith.index_cast %add3A_91 : i32 to index
        %get3A_92 = arith.constant 0 : index
        %get3A_93 = tpu.vector_load %arg5[%get3A, %get3A_92] {strides = array<i32>} : memref<40x128xi32, #tpu.memory_space<vmem>>, vector<1x16xi32>,
        %get3A_94 = vector.shape_cast %get3A_93 : vector<1x16xi32> to vector<16xi32>
        %get3A_95 = arith.index_cast %add3A_91 : i32 to index
        %get3A_96 = arith.constant 0 : index
        %get3A_97 = tpu.vector_load %arg6[%get3A_95, %get3A_96] {strides = array<i32>} : memref<40x128xi32, #tpu.memory_space<vmem>>, vector<1x16xi32>,
        %get3A_98 = vector.shape_cast %get3A_97 : vector<1x16xi32> to vector<16xi32>
        %jit3A_99 = arith.constant 6 : i32
        %eq3A_100 = arith.constant 0 : i32
        %eq3A_101 = arith.cmpi eq, %jit3A_99, %eq3A_100 : i32
        %jit3A_102 = arith.constant 1 : i32
        %select_n3A_103 = arith.select %eq3A_101, %jit3A_102, %jit3A_99 : i32
        %rem3A = arith.remsi %add3A_91, %select_n3A_103 : i32
        %ne3A = arith.constant 0 : i32
        %ne3A_104 = arith.cmpi ne, %rem3A, %ne3A : i32
        %lt3A = arith.constant 0 : i32
        %lt3A_105 = arith.cmpi slt, %rem3A, %lt3A : i32
        %lt3A_106 = arith.constant 0 : i32
        %lt3A_107 = arith.cmpi slt, %select_n3A_103, %lt3A_106 : i32
        %ne3A_108 = arith.xori %lt3A_105, %lt3A_107 : i1
        %and3A = arith.andi %ne3A_108, %ne3A_104 : i1
        %add3A_109 = arith.addi %rem3A, %select_n3A_103 : i32
        %select_n3A_110 = arith.select %and3A, %add3A_109, %rem3A : i32
        %mul3A_111 = arith.constant 16 : i32
        %mul3A_112 = arith.muli %select_n3A_110, %mul3A_111 : i32
        %add3A_113 = arith.constant 10000 : i32
        %add3A_114 = arith.addi %add3A_113, %mul3A_112 : i32
        %iota3A = tpu.iota {dimensions = array<i32: 0>} : vector<16xi32>
        %add3A_115 = vector.broadcast %add3A_114 : i32 to vector<16xi32>
        %add3A_116 = arith.addi %add3A_115, %iota3A : vector<16xi32>
        %eq3A_117 = arith.cmpi eq, %get3A_94, %get3A_98 : vector<16xi32>
        %select_n3A_118 = arith.select %eq3A_117, %add3A_116, %get3A_94 : vector<16xi1>, vector<16xi32>
        %swap3A = arith.index_cast %add3A_91 : i32 to index
        %swap3A_119 = arith.constant 0 : index
        %swap3A_120 = tpu.vector_load %arg5[%swap3A, %swap3A_119] {strides = array<i32>} : memref<40x128xi32, #tpu.memory_space<vmem>>, vector<1x16xi32>,
        %swap3A_121 = vector.shape_cast %swap3A_120 : vector<1x16xi32> to vector<16xi32>
        %swap3A_122 = vector.shape_cast %select_n3A_118 : vector<16xi32> to vector<1x16xi32>
        tpu.vector_store %arg5[%swap3A, %swap3A_119], %swap3A_122 {strides = array<i32>} : memref<40x128xi32, #tpu.memory_space<vmem>>, vector<1x16xi32>,
        %get3A_123 = arith.index_cast %add3A_91 : i32 to index
        %get3A_124 = arith.constant 16 : index
        %get3A_125 = tpu.vector_load %arg5[%get3A_123, %get3A_124] {strides = array<i32>} : memref<40x128xi32, #tpu.memory_space<vmem>>, vector<1x16xi32>,
        %get3A_126 = vector.shape_cast %get3A_125 : vector<1x16xi32> to vector<16xi32>
        %get3A_127 = arith.index_cast %add3A_91 : i32 to index
        %get3A_128 = arith.constant 16 : index
        %get3A_129 = tpu.vector_load %arg6[%get3A_127, %get3A_128] {strides = array<i32>} : memref<40x128xi32, #tpu.memory_space<vmem>>, vector<1x16xi32>,
        %get3A_130 = vector.shape_cast %get3A_129 : vector<1x16xi32> to vector<16xi32>
        %jit3A_131 = arith.constant 6 : i32
        %eq3A_132 = arith.constant 0 : i32
        %eq3A_133 = arith.cmpi eq, %jit3A_131, %eq3A_132 : i32
        %jit3A_134 = arith.constant 1 : i32
        %select_n3A_135 = arith.select %eq3A_133, %jit3A_134, %jit3A_131 : i32
        %rem3A_136 = arith.remsi %add3A_91, %select_n3A_135 : i32
        %ne3A_137 = arith.constant 0 : i32
        %ne3A_138 = arith.cmpi ne, %rem3A_136, %ne3A_137 : i32
        %lt3A_139 = arith.constant 0 : i32
        %lt3A_140 = arith.cmpi slt, %rem3A_136, %lt3A_139 : i32
        %lt3A_141 = arith.constant 0 : i32
        %lt3A_142 = arith.cmpi slt, %select_n3A_135, %lt3A_141 : i32
        %ne3A_143 = arith.xori %lt3A_140, %lt3A_142 : i1
        %and3A_144 = arith.andi %ne3A_143, %ne3A_138 : i1
        %add3A_145 = arith.addi %rem3A_136, %select_n3A_135 : i32
        %select_n3A_146 = arith.select %and3A_144, %add3A_145, %rem3A_136 : i32
        %mul3A_147 = arith.constant 16 : i32
        %mul3A_148 = arith.muli %select_n3A_146, %mul3A_147 : i32
        %add3A_149 = arith.constant 10000 : i32
        %add3A_150 = arith.addi %add3A_149, %mul3A_148 : i32
        %iota3A_151 = tpu.iota {dimensions = array<i32: 0>} : vector<16xi32>
        %add3A_152 = vector.broadcast %add3A_150 : i32 to vector<16xi32>
        %add3A_153 = arith.addi %add3A_152, %iota3A_151 : vector<16xi32>
        %eq3A_154 = arith.cmpi eq, %get3A_126, %get3A_130 : vector<16xi32>
        %select_n3A_155 = arith.select %eq3A_154, %add3A_153, %get3A_126 : vector<16xi1>, vector<16xi32>
        %swap3A_156 = arith.index_cast %add3A_91 : i32 to index
        %swap3A_157 = arith.constant 16 : index
        %swap3A_158 = tpu.vector_load %arg5[%swap3A_156, %swap3A_157] {strides = array<i32>} : memref<40x128xi32, #tpu.memory_space<vmem>>, vector<1x16xi32>,
        %swap3A_159 = vector.shape_cast %swap3A_158 : vector<1x16xi32> to vector<16xi32>
        %swap3A_160 = vector.shape_cast %select_n3A_155 : vector<16xi32> to vector<1x16xi32>
        tpu.vector_store %arg5[%swap3A_156, %swap3A_157], %swap3A_160 {strides = array<i32>} : memref<40x128xi32, #tpu.memory_space<vmem>>, vector<1x16xi32>,
        %get3A_161 = arith.index_cast %add3A_91 : i32 to index
        %get3A_162 = arith.constant 32 : index
        %get3A_163 = tpu.vector_load %arg5[%get3A_161, %get3A_162] {strides = array<i32>} : memref<40x128xi32, #tpu.memory_space<vmem>>, vector<1x16xi32>,
        %get3A_164 = vector.shape_cast %get3A_163 : vector<1x16xi32> to vector<16xi32>
        %get3A_165 = arith.index_cast %add3A_91 : i32 to index
        %get3A_166 = arith.constant 32 : index
        %get3A_167 = tpu.vector_load %arg6[%get3A_165, %get3A_166] {strides = array<i32>} : memref<40x128xi32, #tpu.memory_space<vmem>>, vector<1x16xi32>,
        %get3A_168 = vector.shape_cast %get3A_167 : vector<1x16xi32> to vector<16xi32>
        %jit3A_169 = arith.constant 6 : i32
        %eq3A_170 = arith.constant 0 : i32
        %eq3A_171 = arith.cmpi eq, %jit3A_169, %eq3A_170 : i32
        %jit3A_172 = arith.constant 1 : i32
        %select_n3A_173 = arith.select %eq3A_171, %jit3A_172, %jit3A_169 : i32
        %rem3A_174 = arith.remsi %add3A_91, %select_n3A_173 : i32
        %ne3A_175 = arith.constant 0 : i32
        %ne3A_176 = arith.cmpi ne, %rem3A_174, %ne3A_175 : i32
        %lt3A_177 = arith.constant 0 : i32
        %lt3A_178 = arith.cmpi slt, %rem3A_174, %lt3A_177 : i32
        %lt3A_179 = arith.constant 0 : i32
        %lt3A_180 = arith.cmpi slt, %select_n3A_173, %lt3A_179 : i32
        %ne3A_181 = arith.xori %lt3A_178, %lt3A_180 : i1
        %and3A_182 = arith.andi %ne3A_181, %ne3A_176 : i1
        %add3A_183 = arith.addi %rem3A_174, %select_n3A_173 : i32
        %select_n3A_184 = arith.select %and3A_182, %add3A_183, %rem3A_174 : i32
        %mul3A_185 = arith.constant 16 : i32
        %mul3A_186 = arith.muli %select_n3A_184, %mul3A_185 : i32
        %add3A_187 = arith.constant 10000 : i32
        %add3A_188 = arith.addi %add3A_187, %mul3A_186 : i32
        %iota3A_189 = tpu.iota {dimensions = array<i32: 0>} : vector<16xi32>
        %add3A_190 = vector.broadcast %add3A_188 : i32 to vector<16xi32>
        %add3A_191 = arith.addi %add3A_190, %iota3A_189 : vector<16xi32>
        %eq3A_192 = arith.cmpi eq, %get3A_164, %get3A_168 : vector<16xi32>
        %select_n3A_193 = arith.select %eq3A_192, %add3A_191, %get3A_164 : vector<16xi1>, vector<16xi32>
        %swap3A_194 = arith.index_cast %add3A_91 : i32 to index
        %swap3A_195 = arith.constant 32 : index
        %swap3A_196 = tpu.vector_load %arg5[%swap3A_194, %swap3A_195] {strides = array<i32>} : memref<40x128xi32, #tpu.memory_space<vmem>>, vector<1x16xi32>,
        %swap3A_197 = vector.shape_cast %swap3A_196 : vector<1x16xi32> to vector<16xi32>
        %swap3A_198 = vector.shape_cast %select_n3A_193 : vector<16xi32> to vector<1x16xi32>
        tpu.vector_store %arg5[%swap3A_194, %swap3A_195], %swap3A_198 {strides = array<i32>} : memref<40x128xi32, #tpu.memory_space<vmem>>, vector<1x16xi32>,
        %get3A_199 = arith.index_cast %add3A_91 : i32 to index
        %get3A_200 = arith.constant 48 : index
        %get3A_201 = tpu.vector_load %arg5[%get3A_199, %get3A_200] {strides = array<i32>} : memref<40x128xi32, #tpu.memory_space<vmem>>, vector<1x16xi32>,
        %get3A_202 = vector.shape_cast %get3A_201 : vector<1x16xi32> to vector<16xi32>
        %get3A_203 = arith.index_cast %add3A_91 : i32 to index
        %get3A_204 = arith.constant 48 : index
        %get3A_205 = tpu.vector_load %arg6[%get3A_203, %get3A_204] {strides = array<i32>} : memref<40x128xi32, #tpu.memory_space<vmem>>, vector<1x16xi32>,
        %get3A_206 = vector.shape_cast %get3A_205 : vector<1x16xi32> to vector<16xi32>
        %jit3A_207 = arith.constant 6 : i32
        %eq3A_208 = arith.constant 0 : i32
        %eq3A_209 = arith.cmpi eq, %jit3A_207, %eq3A_208 : i32
        %jit3A_210 = arith.constant 1 : i32
        %select_n3A_211 = arith.select %eq3A_209, %jit3A_210, %jit3A_207 : i32
        %rem3A_212 = arith.remsi %add3A_91, %select_n3A_211 : i32
        %ne3A_213 = arith.constant 0 : i32
        %ne3A_214 = arith.cmpi ne, %rem3A_212, %ne3A_213 : i32
        %lt3A_215 = arith.constant 0 : i32
        %lt3A_216 = arith.cmpi slt, %rem3A_212, %lt3A_215 : i32
        %lt3A_217 = arith.constant 0 : i32
        %lt3A_218 = arith.cmpi slt, %select_n3A_211, %lt3A_217 : i32
        %ne3A_219 = arith.xori %lt3A_216, %lt3A_218 : i1
        %and3A_220 = arith.andi %ne3A_219, %ne3A_214 : i1
        %add3A_221 = arith.addi %rem3A_212, %select_n3A_211 : i32
        %select_n3A_222 = arith.select %and3A_220, %add3A_221, %rem3A_212 : i32
        %mul3A_223 = arith.constant 16 : i32
        %mul3A_224 = arith.muli %select_n3A_222, %mul3A_223 : i32
        %add3A_225 = arith.constant 10000 : i32
        %add3A_226 = arith.addi %add3A_225, %mul3A_224 : i32
        %iota3A_227 = tpu.iota {dimensions = array<i32: 0>} : vector<16xi32>
        %add3A_228 = vector.broadcast %add3A_226 : i32 to vector<16xi32>
        %add3A_229 = arith.addi %add3A_228, %iota3A_227 : vector<16xi32>
        %eq3A_230 = arith.cmpi eq, %get3A_202, %get3A_206 : vector<16xi32>
        %select_n3A_231 = arith.select %eq3A_230, %add3A_229, %get3A_202 : vector<16xi1>, vector<16xi32>
        %swap3A_232 = arith.index_cast %add3A_91 : i32 to index
        %swap3A_233 = arith.constant 48 : index
        %swap3A_234 = tpu.vector_load %arg5[%swap3A_232, %swap3A_233] {strides = array<i32>} : memref<40x128xi32, #tpu.memory_space<vmem>>, vector<1x16xi32>,
        %swap3A_235 = vector.shape_cast %swap3A_234 : vector<1x16xi32> to vector<16xi32>
        %swap3A_236 = vector.shape_cast %select_n3A_231 : vector<16xi32> to vector<1x16xi32>
        tpu.vector_store %arg5[%swap3A_232, %swap3A_233], %swap3A_236 {strides = array<i32>} : memref<40x128xi32, #tpu.memory_space<vmem>>, vector<1x16xi32>,
        %get3A_237 = arith.index_cast %add3A_91 : i32 to index
        %get3A_238 = arith.constant 64 : index
        %get3A_239 = tpu.vector_load %arg5[%get3A_237, %get3A_238] {strides = array<i32>} : memref<40x128xi32, #tpu.memory_space<vmem>>, vector<1x16xi32>,
        %get3A_240 = vector.shape_cast %get3A_239 : vector<1x16xi32> to vector<16xi32>
        %get3A_241 = arith.index_cast %add3A_91 : i32 to index
        %get3A_242 = arith.constant 64 : index
        %get3A_243 = tpu.vector_load %arg6[%get3A_241, %get3A_242] {strides = array<i32>} : memref<40x128xi32, #tpu.memory_space<vmem>>, vector<1x16xi32>,
        %get3A_244 = vector.shape_cast %get3A_243 : vector<1x16xi32> to vector<16xi32>
        %jit3A_245 = arith.constant 6 : i32
        %eq3A_246 = arith.constant 0 : i32
        %eq3A_247 = arith.cmpi eq, %jit3A_245, %eq3A_246 : i32
        %jit3A_248 = arith.constant 1 : i32
        %select_n3A_249 = arith.select %eq3A_247, %jit3A_248, %jit3A_245 : i32
        %rem3A_250 = arith.remsi %add3A_91, %select_n3A_249 : i32
        %ne3A_251 = arith.constant 0 : i32
        %ne3A_252 = arith.cmpi ne, %rem3A_250, %ne3A_251 : i32
        %lt3A_253 = arith.constant 0 : i32
        %lt3A_254 = arith.cmpi slt, %rem3A_250, %lt3A_253 : i32
        %lt3A_255 = arith.constant 0 : i32
        %lt3A_256 = arith.cmpi slt, %select_n3A_249, %lt3A_255 : i32
        %ne3A_257 = arith.xori %lt3A_254, %lt3A_256 : i1
        %and3A_258 = arith.andi %ne3A_257, %ne3A_252 : i1
        %add3A_259 = arith.addi %rem3A_250, %select_n3A_249 : i32
        %select_n3A_260 = arith.select %and3A_258, %add3A_259, %rem3A_250 : i32
        %mul3A_261 = arith.constant 16 : i32
        %mul3A_262 = arith.muli %select_n3A_260, %mul3A_261 : i32
        %add3A_263 = arith.constant 10000 : i32
        %add3A_264 = arith.addi %add3A_263, %mul3A_262 : i32
        %iota3A_265 = tpu.iota {dimensions = array<i32: 0>} : vector<16xi32>
        %add3A_266 = vector.broadcast %add3A_264 : i32 to vector<16xi32>
        %add3A_267 = arith.addi %add3A_266, %iota3A_265 : vector<16xi32>
        %eq3A_268 = arith.cmpi eq, %get3A_240, %get3A_244 : vector<16xi32>
        %select_n3A_269 = arith.select %eq3A_268, %add3A_267, %get3A_240 : vector<16xi1>, vector<16xi32>
        %swap3A_270 = arith.index_cast %add3A_91 : i32 to index
        %swap3A_271 = arith.constant 64 : index
        %swap3A_272 = tpu.vector_load %arg5[%swap3A_270, %swap3A_271] {strides = array<i32>} : memref<40x128xi32, #tpu.memory_space<vmem>>, vector<1x16xi32>,
        %swap3A_273 = vector.shape_cast %swap3A_272 : vector<1x16xi32> to vector<16xi32>
        %swap3A_274 = vector.shape_cast %select_n3A_269 : vector<16xi32> to vector<1x16xi32>
        tpu.vector_store %arg5[%swap3A_270, %swap3A_271], %swap3A_274 {strides = array<i32>} : memref<40x128xi32, #tpu.memory_space<vmem>>, vector<1x16xi32>,
        %get3A_275 = arith.index_cast %add3A_91 : i32 to index
        %get3A_276 = arith.constant 80 : index
        %get3A_277 = tpu.vector_load %arg5[%get3A_275, %get3A_276] {strides = array<i32>} : memref<40x128xi32, #tpu.memory_space<vmem>>, vector<1x16xi32>,
        %get3A_278 = vector.shape_cast %get3A_277 : vector<1x16xi32> to vector<16xi32>
        %get3A_279 = arith.index_cast %add3A_91 : i32 to index
        %get3A_280 = arith.constant 80 : index
        %get3A_281 = tpu.vector_load %arg6[%get3A_279, %get3A_280] {strides = array<i32>} : memref<40x128xi32, #tpu.memory_space<vmem>>, vector<1x16xi32>,
        %get3A_282 = vector.shape_cast %get3A_281 : vector<1x16xi32> to vector<16xi32>
        %jit3A_283 = arith.constant 6 : i32
        %eq3A_284 = arith.constant 0 : i32
        %eq3A_285 = arith.cmpi eq, %jit3A_283, %eq3A_284 : i32
        %jit3A_286 = arith.constant 1 : i32
        %select_n3A_287 = arith.select %eq3A_285, %jit3A_286, %jit3A_283 : i32
        %rem3A_288 = arith.remsi %add3A_91, %select_n3A_287 : i32
        %ne3A_289 = arith.constant 0 : i32
        %ne3A_290 = arith.cmpi ne, %rem3A_288, %ne3A_289 : i32
        %lt3A_291 = arith.constant 0 : i32
        %lt3A_292 = arith.cmpi slt, %rem3A_288, %lt3A_291 : i32
        %lt3A_293 = arith.constant 0 : i32
        %lt3A_294 = arith.cmpi slt, %select_n3A_287, %lt3A_293 : i32
        %ne3A_295 = arith.xori %lt3A_292, %lt3A_294 : i1
        %and3A_296 = arith.andi %ne3A_295, %ne3A_290 : i1
        %add3A_297 = arith.addi %rem3A_288, %select_n3A_287 : i32
        %select_n3A_298 = arith.select %and3A_296, %add3A_297, %rem3A_288 : i32
        %mul3A_299 = arith.constant 16 : i32
        %mul3A_300 = arith.muli %select_n3A_298, %mul3A_299 : i32
        %add3A_301 = arith.constant 10000 : i32
        %add3A_302 = arith.addi %add3A_301, %mul3A_300 : i32
        %iota3A_303 = tpu.iota {dimensions = array<i32: 0>} : vector<16xi32>
        %add3A_304 = vector.broadcast %add3A_302 : i32 to vector<16xi32>
        %add3A_305 = arith.addi %add3A_304, %iota3A_303 : vector<16xi32>
        %eq3A_306 = arith.cmpi eq, %get3A_278, %get3A_282 : vector<16xi32>
        %select_n3A_307 = arith.select %eq3A_306, %add3A_305, %get3A_278 : vector<16xi1>, vector<16xi32>
        %swap3A_308 = arith.index_cast %add3A_91 : i32 to index
        %swap3A_309 = arith.constant 80 : index
        %swap3A_310 = tpu.vector_load %arg5[%swap3A_308, %swap3A_309] {strides = array<i32>} : memref<40x128xi32, #tpu.memory_space<vmem>>, vector<1x16xi32>,
        %swap3A_311 = vector.shape_cast %swap3A_310 : vector<1x16xi32> to vector<16xi32>
        %swap3A_312 = vector.shape_cast %select_n3A_307 : vector<16xi32> to vector<1x16xi32>
        tpu.vector_store %arg5[%swap3A_308, %swap3A_309], %swap3A_312 {strides = array<i32>} : memref<40x128xi32, #tpu.memory_space<vmem>>, vector<1x16xi32>,
        %get3A_313 = arith.index_cast %add3A_91 : i32 to index
        %get3A_314 = arith.constant 96 : index
        %get3A_315 = tpu.vector_load %arg5[%get3A_313, %get3A_314] {strides = array<i32>} : memref<40x128xi32, #tpu.memory_space<vmem>>, vector<1x16xi32>,
        %get3A_316 = vector.shape_cast %get3A_315 : vector<1x16xi32> to vector<16xi32>
        %get3A_317 = arith.index_cast %add3A_91 : i32 to index
        %get3A_318 = arith.constant 96 : index
        %get3A_319 = tpu.vector_load %arg6[%get3A_317, %get3A_318] {strides = array<i32>} : memref<40x128xi32, #tpu.memory_space<vmem>>, vector<1x16xi32>,
        %get3A_320 = vector.shape_cast %get3A_319 : vector<1x16xi32> to vector<16xi32>
        %jit3A_321 = arith.constant 6 : i32
        %eq3A_322 = arith.constant 0 : i32
        %eq3A_323 = arith.cmpi eq, %jit3A_321, %eq3A_322 : i32
        %jit3A_324 = arith.constant 1 : i32
        %select_n3A_325 = arith.select %eq3A_323, %jit3A_324, %jit3A_321 : i32
        %rem3A_326 = arith.remsi %add3A_91, %select_n3A_325 : i32
        %ne3A_327 = arith.constant 0 : i32
        %ne3A_328 = arith.cmpi ne, %rem3A_326, %ne3A_327 : i32
        %lt3A_329 = arith.constant 0 : i32
        %lt3A_330 = arith.cmpi slt, %rem3A_326, %lt3A_329 : i32
        %lt3A_331 = arith.constant 0 : i32
        %lt3A_332 = arith.cmpi slt, %select_n3A_325, %lt3A_331 : i32
        %ne3A_333 = arith.xori %lt3A_330, %lt3A_332 : i1
        %and3A_334 = arith.andi %ne3A_333, %ne3A_328 : i1
        %add3A_335 = arith.addi %rem3A_326, %select_n3A_325 : i32
        %select_n3A_336 = arith.select %and3A_334, %add3A_335, %rem3A_326 : i32
        %mul3A_337 = arith.constant 16 : i32
        %mul3A_338 = arith.muli %select_n3A_336, %mul3A_337 : i32
        %add3A_339 = arith.constant 10000 : i32
        %add3A_340 = arith.addi %add3A_339, %mul3A_338 : i32
        %iota3A_341 = tpu.iota {dimensions = array<i32: 0>} : vector<16xi32>
        %add3A_342 = vector.broadcast %add3A_340 : i32 to vector<16xi32>
        %add3A_343 = arith.addi %add3A_342, %iota3A_341 : vector<16xi32>
        %eq3A_344 = arith.cmpi eq, %get3A_316, %get3A_320 : vector<16xi32>
        %select_n3A_345 = arith.select %eq3A_344, %add3A_343, %get3A_316 : vector<16xi1>, vector<16xi32>
        %swap3A_346 = arith.index_cast %add3A_91 : i32 to index
        %swap3A_347 = arith.constant 96 : index
        %swap3A_348 = tpu.vector_load %arg5[%swap3A_346, %swap3A_347] {strides = array<i32>} : memref<40x128xi32, #tpu.memory_space<vmem>>, vector<1x16xi32>,
        %swap3A_349 = vector.shape_cast %swap3A_348 : vector<1x16xi32> to vector<16xi32>
        %swap3A_350 = vector.shape_cast %select_n3A_345 : vector<16xi32> to vector<1x16xi32>
        tpu.vector_store %arg5[%swap3A_346, %swap3A_347], %swap3A_350 {strides = array<i32>} : memref<40x128xi32, #tpu.memory_space<vmem>>, vector<1x16xi32>,
        %get3A_351 = arith.index_cast %add3A_91 : i32 to index
        %get3A_352 = arith.constant 112 : index
        %get3A_353 = tpu.vector_load %arg5[%get3A_351, %get3A_352] {strides = array<i32>} : memref<40x128xi32, #tpu.memory_space<vmem>>, vector<1x16xi32>,
        %get3A_354 = vector.shape_cast %get3A_353 : vector<1x16xi32> to vector<16xi32>
        %get3A_355 = arith.index_cast %add3A_91 : i32 to index
        %get3A_356 = arith.constant 112 : index
        %get3A_357 = tpu.vector_load %arg6[%get3A_355, %get3A_356] {strides = array<i32>} : memref<40x128xi32, #tpu.memory_space<vmem>>, vector<1x16xi32>,
        %get3A_358 = vector.shape_cast %get3A_357 : vector<1x16xi32> to vector<16xi32>
        %jit3A_359 = arith.constant 6 : i32
        %eq3A_360 = arith.constant 0 : i32
        %eq3A_361 = arith.cmpi eq, %jit3A_359, %eq3A_360 : i32
        %jit3A_362 = arith.constant 1 : i32
        %select_n3A_363 = arith.select %eq3A_361, %jit3A_362, %jit3A_359 : i32
        %rem3A_364 = arith.remsi %add3A_91, %select_n3A_363 : i32
        %ne3A_365 = arith.constant 0 : i32
        %ne3A_366 = arith.cmpi ne, %rem3A_364, %ne3A_365 : i32
        %lt3A_367 = arith.constant 0 : i32
        %lt3A_368 = arith.cmpi slt, %rem3A_364, %lt3A_367 : i32
        %lt3A_369 = arith.constant 0 : i32
        %lt3A_370 = arith.cmpi slt, %select_n3A_363, %lt3A_369 : i32
        %ne3A_371 = arith.xori %lt3A_368, %lt3A_370 : i1
        %and3A_372 = arith.andi %ne3A_371, %ne3A_366 : i1
        %add3A_373 = arith.addi %rem3A_364, %select_n3A_363 : i32
        %select_n3A_374 = arith.select %and3A_372, %add3A_373, %rem3A_364 : i32
        %mul3A_375 = arith.constant 16 : i32
        %mul3A_376 = arith.muli %select_n3A_374, %mul3A_375 : i32
        %add3A_377 = arith.constant 10000 : i32
        %add3A_378 = arith.addi %add3A_377, %mul3A_376 : i32
        %iota3A_379 = tpu.iota {dimensions = array<i32: 0>} : vector<16xi32>
        %add3A_380 = vector.broadcast %add3A_378 : i32 to vector<16xi32>
        %add3A_381 = arith.addi %add3A_380, %iota3A_379 : vector<16xi32>
        %eq3A_382 = arith.cmpi eq, %get3A_354, %get3A_358 : vector<16xi32>
        %select_n3A_383 = arith.select %eq3A_382, %add3A_381, %get3A_354 : vector<16xi1>, vector<16xi32>
        %swap3A_384 = arith.index_cast %add3A_91 : i32 to index
        %swap3A_385 = arith.constant 112 : index
        %swap3A_386 = tpu.vector_load %arg5[%swap3A_384, %swap3A_385] {strides = array<i32>} : memref<40x128xi32, #tpu.memory_space<vmem>>, vector<1x16xi32>,
        %swap3A_387 = vector.shape_cast %swap3A_386 : vector<1x16xi32> to vector<16xi32>
        %swap3A_388 = vector.shape_cast %select_n3A_383 : vector<16xi32> to vector<1x16xi32>
        tpu.vector_store %arg5[%swap3A_384, %swap3A_385], %swap3A_388 {strides = array<i32>} : memref<40x128xi32, #tpu.memory_space<vmem>>, vector<1x16xi32>,
      }
      %scan3A_68 = arith.constant 40 : i32
      %dma_start3A = arith.constant 0 : i32
      %dma_start3A_69 = arith.constant 0 : i32
      %dma_start3A_70 = tpu.memref_slice %arg6[%dma_start3A, %dma_start3A_69] : memref<40x128xi32, #tpu.memory_space<vmem>> -> memref<1x128xi32, #tpu.memory_space<vmem>>
      %dma_start3A_71 = tpu.memref_squeeze %dma_start3A_70 : memref<1x128xi32, #tpu.memory_space<vmem>> -> memref<128xi32, #tpu.memory_space<vmem>>
      %dma_start3A_72 = arith.constant 0 : i32
      %dma_start3A_73 = arith.constant 0 : i32
      %dma_start3A_74 = tpu.memref_slice %arg3[%dma_start3A_72, %dma_start3A_73] : memref<10000x128xf32, #tpu.memory_space<hbm>> -> memref<10000x128xf32, #tpu.memory_space<hbm>>
      tpu.enqueue_indirect_dma source(%dma_start3A_74 : memref<10000x128xf32, #tpu.memory_space<hbm>>) target(%arg7 : memref<128x128xf32, #tpu.memory_space<vmem>>) offsets(%dma_start3A_71 : memref<128xi32, #tpu.memory_space<vmem>>) semaphore(%arg10 : memref<!tpu.dma_semaphore, #tpu.memory_space<semaphore_mem>>)
      %dma_start3A_75 = arith.constant 1 : i32
      %dma_start3A_76 = arith.constant 0 : i32
      %dma_start3A_77 = tpu.memref_slice %arg6[%dma_start3A_75, %dma_start3A_76] : memref<40x128xi32, #tpu.memory_space<vmem>> -> memref<1x128xi32, #tpu.memory_space<vmem>>
      %dma_start3A_78 = tpu.memref_squeeze %dma_start3A_77 : memref<1x128xi32, #tpu.memory_space<vmem>> -> memref<128xi32, #tpu.memory_space<vmem>>
      %dma_start3A_79 = arith.constant 0 : i32
      %dma_start3A_80 = arith.constant 0 : i32
      %dma_start3A_81 = tpu.memref_slice %arg3[%dma_start3A_79, %dma_start3A_80] : memref<10000x128xf32, #tpu.memory_space<hbm>> -> memref<10000x128xf32, #tpu.memory_space<hbm>>
      tpu.enqueue_indirect_dma source(%dma_start3A_81 : memref<10000x128xf32, #tpu.memory_space<hbm>>) target(%arg8 : memref<128x128xf32, #tpu.memory_space<vmem>>) offsets(%dma_start3A_78 : memref<128xi32, #tpu.memory_space<vmem>>) semaphore(%arg11 : memref<!tpu.dma_semaphore, #tpu.memory_space<semaphore_mem>>)
      %scan3A_82 = arith.constant 0 : i32
      %scan3A_83 = arith.constant 20 : i32
      %scan3A_84 = arith.addi %scan3A_82, %scan3A_83 : i32
      %scan3A_85 = arith.constant 1 : i32
      scf.for %scan3A_87 = %scan3A_82 to %scan3A_84 step %scan3A_85  : i32 {
        %mul3A_88 = arith.constant 2 : i32
        %mul3A_89 = arith.muli %scan3A_87, %mul3A_88 : i32
        %add3A_90 = arith.constant 0 : i32
        %add3A_91 = arith.addi %add3A_90, %mul3A_89 : i32
        %dma_wait3A = arith.constant 0 : i32
        %dma_wait3A_92 = arith.constant 0 : i32
        %dma_wait3A_93 = tpu.memref_slice %arg3[%dma_wait3A, %dma_wait3A_92] : memref<10000x128xf32, #tpu.memory_space<hbm>> -> memref<128x128xf32, #tpu.memory_space<hbm>>
        %dma_wait3A_94 = arith.constant 0 : i32
        %dma_wait3A_95 = arith.constant 0 : i32
        %dma_wait3A_96 = tpu.memref_slice %arg3[%dma_wait3A_94, %dma_wait3A_95] : memref<10000x128xf32, #tpu.memory_space<hbm>> -> memref<128x128xf32, #tpu.memory_space<hbm>>
        tpu.wait_dma2 semaphore(%arg10 : memref<!tpu.dma_semaphore, #tpu.memory_space<semaphore_mem>>) src(%dma_wait3A_96 : memref<128x128xf32, #tpu.memory_space<hbm>>) dst(%arg7 : memref<128x128xf32, #tpu.memory_space<vmem>>)
        "tpu.region"() ({
          %run_scoped3A_116 = tpu.sem_alloc : memref<!tpu.dma_semaphore, #tpu.memory_space<semaphore_mem>>
          %dma_start3A_117 = arith.constant 0 : i32
          %dma_start3A_118 = tpu.memref_slice %arg5[%add3A_91, %dma_start3A_117] : memref<40x128xi32, #tpu.memory_space<vmem>> -> memref<1x128xi32, #tpu.memory_space<vmem>>
          %dma_start3A_119 = tpu.memref_squeeze %dma_start3A_118 : memref<1x128xi32, #tpu.memory_space<vmem>> -> memref<128xi32, #tpu.memory_space<vmem>>
          %dma_start3A_120 = arith.constant 0 : i32
          %dma_start3A_121 = arith.constant 0 : i32
          %dma_start3A_122 = tpu.memref_slice %arg9[%dma_start3A_120, %dma_start3A_121] : memref<10112x128xf32, #tpu.memory_space<vmem_shared>> -> memref<10112x128xf32, #tpu.memory_space<vmem_shared>>
          tpu.enqueue_indirect_dma source(%arg7 : memref<128x128xf32, #tpu.memory_space<vmem>>) target(%dma_start3A_122 : memref<10112x128xf32, #tpu.memory_space<vmem_shared>>) offsets(%dma_start3A_119 : memref<128xi32, #tpu.memory_space<vmem>>) semaphore(%run_scoped3A_116 : memref<!tpu.dma_semaphore, #tpu.memory_space<semaphore_mem>>) {add = true}
          %dma_wait3A_123 = arith.constant 0 : i32
          %dma_wait3A_124 = tpu.memref_slice %arg5[%add3A_91, %dma_wait3A_123] : memref<40x128xi32, #tpu.memory_space<vmem>> -> memref<1x128xi32, #tpu.memory_space<vmem>>
          %dma_wait3A_125 = tpu.memref_squeeze %dma_wait3A_124 : memref<1x128xi32, #tpu.memory_space<vmem>> -> memref<128xi32, #tpu.memory_space<vmem>>
          %dma_wait3A_126 = arith.constant 0 : i32
          %dma_wait3A_127 = arith.constant 0 : i32
          %dma_wait3A_128 = tpu.memref_slice %arg9[%dma_wait3A_126, %dma_wait3A_127] : memref<10112x128xf32, #tpu.memory_space<vmem_shared>> -> memref<10112x128xf32, #tpu.memory_space<vmem_shared>>
          tpu.wait_indirect_dma semaphore(%run_scoped3A_116 : memref<!tpu.dma_semaphore, #tpu.memory_space<semaphore_mem>>) src(%arg7 : memref<128x128xf32, #tpu.memory_space<vmem>>) dst(%dma_wait3A_128 : memref<10112x128xf32, #tpu.memory_space<vmem_shared>>)
          tpu.yield
        }) : () -> ()
        %add3A_97 = arith.constant 2 : i32
        %add3A_98 = arith.addi %add3A_91, %add3A_97 : i32
        %lt3A = arith.constant 40 : i32
        %lt3A_99 = arith.cmpi slt, %add3A_98, %lt3A : i32
        %convert_element_type3A = arith.extui %lt3A_99 : i1 to i32
        %cond3A = arith.constant 0 : i32
        %cond3A_100 = arith.cmpi ne, %convert_element_type3A, %cond3A : i32
        scf.if %cond3A_100 {
          %add3A_116 = arith.constant 2 : i32
          %add3A_117 = arith.addi %add3A_91, %add3A_116 : i32
          %dma_start3A_118 = arith.constant 0 : i32
          %dma_start3A_119 = tpu.memref_slice %arg6[%add3A_117, %dma_start3A_118] : memref<40x128xi32, #tpu.memory_space<vmem>> -> memref<1x128xi32, #tpu.memory_space<vmem>>
          %dma_start3A_120 = tpu.memref_squeeze %dma_start3A_119 : memref<1x128xi32, #tpu.memory_space<vmem>> -> memref<128xi32, #tpu.memory_space<vmem>>
          %dma_start3A_121 = arith.constant 0 : i32
          %dma_start3A_122 = arith.constant 0 : i32
          %dma_start3A_123 = tpu.memref_slice %arg3[%dma_start3A_121, %dma_start3A_122] : memref<10000x128xf32, #tpu.memory_space<hbm>> -> memref<10000x128xf32, #tpu.memory_space<hbm>>
          tpu.enqueue_indirect_dma source(%dma_start3A_123 : memref<10000x128xf32, #tpu.memory_space<hbm>>) target(%arg7 : memref<128x128xf32, #tpu.memory_space<vmem>>) offsets(%dma_start3A_120 : memref<128xi32, #tpu.memory_space<vmem>>) semaphore(%arg10 : memref<!tpu.dma_semaphore, #tpu.memory_space<semaphore_mem>>)
        } else {
        }
        %dma_wait3A_101 = arith.constant 0 : i32
        %dma_wait3A_102 = arith.constant 0 : i32
        %dma_wait3A_103 = tpu.memref_slice %arg3[%dma_wait3A_101, %dma_wait3A_102] : memref<10000x128xf32, #tpu.memory_space<hbm>> -> memref<128x128xf32, #tpu.memory_space<hbm>>
        %dma_wait3A_104 = arith.constant 0 : i32
        %dma_wait3A_105 = arith.constant 0 : i32
        %dma_wait3A_106 = tpu.memref_slice %arg3[%dma_wait3A_104, %dma_wait3A_105] : memref<10000x128xf32, #tpu.memory_space<hbm>> -> memref<128x128xf32, #tpu.memory_space<hbm>>
        tpu.wait_dma2 semaphore(%arg11 : memref<!tpu.dma_semaphore, #tpu.memory_space<semaphore_mem>>) src(%dma_wait3A_106 : memref<128x128xf32, #tpu.memory_space<hbm>>) dst(%arg8 : memref<128x128xf32, #tpu.memory_space<vmem>>)
        %add3A_107 = arith.constant 1 : i32
        %add3A_108 = arith.addi %add3A_91, %add3A_107 : i32
        "tpu.region"() ({
          %run_scoped3A_116 = tpu.sem_alloc : memref<!tpu.dma_semaphore, #tpu.memory_space<semaphore_mem>>
          %dma_start3A_117 = arith.constant 0 : i32
          %dma_start3A_118 = tpu.memref_slice %arg5[%add3A_108, %dma_start3A_117] : memref<40x128xi32, #tpu.memory_space<vmem>> -> memref<1x128xi32, #tpu.memory_space<vmem>>
          %dma_start3A_119 = tpu.memref_squeeze %dma_start3A_118 : memref<1x128xi32, #tpu.memory_space<vmem>> -> memref<128xi32, #tpu.memory_space<vmem>>
          %dma_start3A_120 = arith.constant 0 : i32
          %dma_start3A_121 = arith.constant 0 : i32
          %dma_start3A_122 = tpu.memref_slice %arg9[%dma_start3A_120, %dma_start3A_121] : memref<10112x128xf32, #tpu.memory_space<vmem_shared>> -> memref<10112x128xf32, #tpu.memory_space<vmem_shared>>
          tpu.enqueue_indirect_dma source(%arg8 : memref<128x128xf32, #tpu.memory_space<vmem>>) target(%dma_start3A_122 : memref<10112x128xf32, #tpu.memory_space<vmem_shared>>) offsets(%dma_start3A_119 : memref<128xi32, #tpu.memory_space<vmem>>) semaphore(%run_scoped3A_116 : memref<!tpu.dma_semaphore, #tpu.memory_space<semaphore_mem>>) {add = true}
          %dma_wait3A_123 = arith.constant 0 : i32
          %dma_wait3A_124 = tpu.memref_slice %arg5[%add3A_108, %dma_wait3A_123] : memref<40x128xi32, #tpu.memory_space<vmem>> -> memref<1x128xi32, #tpu.memory_space<vmem>>
          %dma_wait3A_125 = tpu.memref_squeeze %dma_wait3A_124 : memref<1x128xi32, #tpu.memory_space<vmem>> -> memref<128xi32, #tpu.memory_space<vmem>>
          %dma_wait3A_126 = arith.constant 0 : i32
          %dma_wait3A_127 = arith.constant 0 : i32
          %dma_wait3A_128 = tpu.memref_slice %arg9[%dma_wait3A_126, %dma_wait3A_127] : memref<10112x128xf32, #tpu.memory_space<vmem_shared>> -> memref<10112x128xf32, #tpu.memory_space<vmem_shared>>
          tpu.wait_indirect_dma semaphore(%run_scoped3A_116 : memref<!tpu.dma_semaphore, #tpu.memory_space<semaphore_mem>>) src(%arg8 : memref<128x128xf32, #tpu.memory_space<vmem>>) dst(%dma_wait3A_128 : memref<10112x128xf32, #tpu.memory_space<vmem_shared>>)
          tpu.yield
        }) : () -> ()
        %add3A_109 = arith.constant 3 : i32
        %add3A_110 = arith.addi %add3A_91, %add3A_109 : i32
        %lt3A_111 = arith.constant 40 : i32
        %lt3A_112 = arith.cmpi slt, %add3A_110, %lt3A_111 : i32
        %convert_element_type3A_113 = arith.extui %lt3A_112 : i1 to i32
        %cond3A_114 = arith.constant 0 : i32
        %cond3A_115 = arith.cmpi ne, %convert_element_type3A_113, %cond3A_114 : i32
        scf.if %cond3A_115 {
          %add3A_116 = arith.constant 3 : i32
          %add3A_117 = arith.addi %add3A_91, %add3A_116 : i32
          %dma_start3A_118 = arith.constant 0 : i32
          %dma_start3A_119 = tpu.memref_slice %arg6[%add3A_117, %dma_start3A_118] : memref<40x128xi32, #tpu.memory_space<vmem>> -> memref<1x128xi32, #tpu.memory_space<vmem>>
          %dma_start3A_120 = tpu.memref_squeeze %dma_start3A_119 : memref<1x128xi32, #tpu.memory_space<vmem>> -> memref<128xi32, #tpu.memory_space<vmem>>
          %dma_start3A_121 = arith.constant 0 : i32
          %dma_start3A_122 = arith.constant 0 : i32
          %dma_start3A_123 = tpu.memref_slice %arg3[%dma_start3A_121, %dma_start3A_122] : memref<10000x128xf32, #tpu.memory_space<hbm>> -> memref<10000x128xf32, #tpu.memory_space<hbm>>
          tpu.enqueue_indirect_dma source(%dma_start3A_123 : memref<10000x128xf32, #tpu.memory_space<hbm>>) target(%arg8 : memref<128x128xf32, #tpu.memory_space<vmem>>) offsets(%dma_start3A_120 : memref<128xi32, #tpu.memory_space<vmem>>) semaphore(%arg11 : memref<!tpu.dma_semaphore, #tpu.memory_space<semaphore_mem>>)
        } else {
        }
      }
      %scan3A_86 = arith.constant 20 : i32
    }
    %while3A_48 = arith.constant 1 : i32
    scf.for %while3A_54 = %while3A_46 to %while3A_42 step %while3A_48  : i32 {
      %mul3A_55 = arith.muli %while3A_54, %while3A : i32
      %add3A_56 = arith.addi %while3A_39, %mul3A_55 : i32
      %mul3A_57 = arith.constant 40 : i32
      %mul3A_58 = arith.muli %add3A_56, %mul3A_57 : i32
      %add3A_59 = arith.addi %select_n3A, %mul3A_58 : i32
      %run_scoped3A = arith.constant 0 : i32
      "tpu.region"() ({
        %run_scoped3A_87 = tpu.sem_alloc : memref<!tpu.dma_semaphore, #tpu.memory_space<semaphore_mem>>
        %dma_start3A_88 = arith.constant 0 : i32
        %dma_start3A_89 = tpu.memref_slice %arg2[%run_scoped3A, %add3A_59, %dma_start3A_88] : memref<2x2560x128xi32, #tpu.memory_space<hbm>> -> memref<1x40x128xi32, #tpu.memory_space<hbm>>
        %dma_start3A_90 = tpu.memref_squeeze %dma_start3A_89 : memref<1x40x128xi32, #tpu.memory_space<hbm>> -> memref<40x128xi32, #tpu.memory_space<hbm>>
        %dma_start3A_91 = arith.constant 0 : i32
        %dma_start3A_92 = tpu.memref_slice %arg2[%run_scoped3A, %add3A_59, %dma_start3A_91] : memref<2x2560x128xi32, #tpu.memory_space<hbm>> -> memref<1x40x128xi32, #tpu.memory_space<hbm>>
        %dma_start3A_93 = tpu.memref_squeeze %dma_start3A_92 : memref<1x40x128xi32, #tpu.memory_space<hbm>> -> memref<40x128xi32, #tpu.memory_space<hbm>>
        tpu.enqueue_dma source(%dma_start3A_93 : memref<40x128xi32, #tpu.memory_space<hbm>>) target(%arg5 : memref<40x128xi32, #tpu.memory_space<vmem>>) target_semaphore(%run_scoped3A_87 : memref<!tpu.dma_semaphore, #tpu.memory_space<semaphore_mem>>)
        %dma_wait3A = arith.constant 0 : i32
        %dma_wait3A_94 = tpu.memref_slice %arg2[%run_scoped3A, %add3A_59, %dma_wait3A] : memref<2x2560x128xi32, #tpu.memory_space<hbm>> -> memref<1x40x128xi32, #tpu.memory_space<hbm>>
        %dma_wait3A_95 = tpu.memref_squeeze %dma_wait3A_94 : memref<1x40x128xi32, #tpu.memory_space<hbm>> -> memref<40x128xi32, #tpu.memory_space<hbm>>
        %dma_wait3A_96 = arith.constant 0 : i32
        %dma_wait3A_97 = tpu.memref_slice %arg2[%run_scoped3A, %add3A_59, %dma_wait3A_96] : memref<2x2560x128xi32, #tpu.memory_space<hbm>> -> memref<1x40x128xi32, #tpu.memory_space<hbm>>
        %dma_wait3A_98 = tpu.memref_squeeze %dma_wait3A_97 : memref<1x40x128xi32, #tpu.memory_space<hbm>> -> memref<40x128xi32, #tpu.memory_space<hbm>>
        tpu.wait_dma2 semaphore(%run_scoped3A_87 : memref<!tpu.dma_semaphore, #tpu.memory_space<semaphore_mem>>) src(%dma_wait3A_98 : memref<40x128xi32, #tpu.memory_space<hbm>>) dst(%arg5 : memref<40x128xi32, #tpu.memory_space<vmem>>)
        tpu.yield
      }) : () -> ()
      %mul3A_60 = arith.constant 40 : i32
      %mul3A_61 = arith.muli %add3A_56, %mul3A_60 : i32
      %add3A_62 = arith.addi %select_n3A, %mul3A_61 : i32
      %run_scoped3A_63 = arith.constant 1 : i32
      "tpu.region"() ({
        %run_scoped3A_87 = tpu.sem_alloc : memref<!tpu.dma_semaphore, #tpu.memory_space<semaphore_mem>>
        %dma_start3A_88 = arith.constant 0 : i32
        %dma_start3A_89 = tpu.memref_slice %arg2[%run_scoped3A_63, %add3A_62, %dma_start3A_88] : memref<2x2560x128xi32, #tpu.memory_space<hbm>> -> memref<1x40x128xi32, #tpu.memory_space<hbm>>
        %dma_start3A_90 = tpu.memref_squeeze %dma_start3A_89 : memref<1x40x128xi32, #tpu.memory_space<hbm>> -> memref<40x128xi32, #tpu.memory_space<hbm>>
        %dma_start3A_91 = arith.constant 0 : i32
        %dma_start3A_92 = tpu.memref_slice %arg2[%run_scoped3A_63, %add3A_62, %dma_start3A_91] : memref<2x2560x128xi32, #tpu.memory_space<hbm>> -> memref<1x40x128xi32, #tpu.memory_space<hbm>>
        %dma_start3A_93 = tpu.memref_squeeze %dma_start3A_92 : memref<1x40x128xi32, #tpu.memory_space<hbm>> -> memref<40x128xi32, #tpu.memory_space<hbm>>
        tpu.enqueue_dma source(%dma_start3A_93 : memref<40x128xi32, #tpu.memory_space<hbm>>) target(%arg6 : memref<40x128xi32, #tpu.memory_space<vmem>>) target_semaphore(%run_scoped3A_87 : memref<!tpu.dma_semaphore, #tpu.memory_space<semaphore_mem>>)
        %dma_wait3A = arith.constant 0 : i32
        %dma_wait3A_94 = tpu.memref_slice %arg2[%run_scoped3A_63, %add3A_62, %dma_wait3A] : memref<2x2560x128xi32, #tpu.memory_space<hbm>> -> memref<1x40x128xi32, #tpu.memory_space<hbm>>
        %dma_wait3A_95 = tpu.memref_squeeze %dma_wait3A_94 : memref<1x40x128xi32, #tpu.memory_space<hbm>> -> memref<40x128xi32, #tpu.memory_space<hbm>>
        %dma_wait3A_96 = arith.constant 0 : i32
        %dma_wait3A_97 = tpu.memref_slice %arg2[%run_scoped3A_63, %add3A_62, %dma_wait3A_96] : memref<2x2560x128xi32, #tpu.memory_space<hbm>> -> memref<1x40x128xi32, #tpu.memory_space<hbm>>
        %dma_wait3A_98 = tpu.memref_squeeze %dma_wait3A_97 : memref<1x40x128xi32, #tpu.memory_space<hbm>> -> memref<40x128xi32, #tpu.memory_space<hbm>>
        tpu.wait_dma2 semaphore(%run_scoped3A_87 : memref<!tpu.dma_semaphore, #tpu.memory_space<semaphore_mem>>) src(%dma_wait3A_98 : memref<40x128xi32, #tpu.memory_space<hbm>>) dst(%arg6 : memref<40x128xi32, #tpu.memory_space<vmem>>)
        tpu.yield
      }) : () -> ()
      %scan3A_64 = arith.constant 0 : i32
      %scan3A_65 = arith.constant 40 : i32
      %scan3A_66 = arith.addi %scan3A_64, %scan3A_65 : i32
      %scan3A_67 = arith.constant 1 : i32
      scf.for %scan3A_87 = %scan3A_64 to %scan3A_66 step %scan3A_67  : i32 {
        %mul3A_88 = arith.constant 1 : i32
        %mul3A_89 = arith.muli %scan3A_87, %mul3A_88 : i32
        %add3A_90 = arith.constant 0 : i32
        %add3A_91 = arith.addi %add3A_90, %mul3A_89 : i32
        %get3A = arith.index_cast %add3A_91 : i32 to index
        %get3A_92 = arith.constant 0 : index
        %get3A_93 = tpu.vector_load %arg5[%get3A, %get3A_92] {strides = array<i32>} : memref<40x128xi32, #tpu.memory_space<vmem>>, vector<1x16xi32>,
        %get3A_94 = vector.shape_cast %get3A_93 : vector<1x16xi32> to vector<16xi32>
        %get3A_95 = arith.index_cast %add3A_91 : i32 to index
        %get3A_96 = arith.constant 0 : index
        %get3A_97 = tpu.vector_load %arg6[%get3A_95, %get3A_96] {strides = array<i32>} : memref<40x128xi32, #tpu.memory_space<vmem>>, vector<1x16xi32>,
        %get3A_98 = vector.shape_cast %get3A_97 : vector<1x16xi32> to vector<16xi32>
        %jit3A_99 = arith.constant 6 : i32
        %eq3A_100 = arith.constant 0 : i32
        %eq3A_101 = arith.cmpi eq, %jit3A_99, %eq3A_100 : i32
        %jit3A_102 = arith.constant 1 : i32
        %select_n3A_103 = arith.select %eq3A_101, %jit3A_102, %jit3A_99 : i32
        %rem3A = arith.remsi %add3A_91, %select_n3A_103 : i32
        %ne3A = arith.constant 0 : i32
        %ne3A_104 = arith.cmpi ne, %rem3A, %ne3A : i32
        %lt3A = arith.constant 0 : i32
        %lt3A_105 = arith.cmpi slt, %rem3A, %lt3A : i32
        %lt3A_106 = arith.constant 0 : i32
        %lt3A_107 = arith.cmpi slt, %select_n3A_103, %lt3A_106 : i32
        %ne3A_108 = arith.xori %lt3A_105, %lt3A_107 : i1
        %and3A = arith.andi %ne3A_108, %ne3A_104 : i1
        %add3A_109 = arith.addi %rem3A, %select_n3A_103 : i32
        %select_n3A_110 = arith.select %and3A, %add3A_109, %rem3A : i32
        %mul3A_111 = arith.constant 16 : i32
        %mul3A_112 = arith.muli %select_n3A_110, %mul3A_111 : i32
        %add3A_113 = arith.constant 10000 : i32
        %add3A_114 = arith.addi %add3A_113, %mul3A_112 : i32
        %iota3A = tpu.iota {dimensions = array<i32: 0>} : vector<16xi32>
        %add3A_115 = vector.broadcast %add3A_114 : i32 to vector<16xi32>
        %add3A_116 = arith.addi %add3A_115, %iota3A : vector<16xi32>
        %eq3A_117 = arith.cmpi eq, %get3A_94, %get3A_98 : vector<16xi32>
        %select_n3A_118 = arith.select %eq3A_117, %add3A_116, %get3A_94 : vector<16xi1>, vector<16xi32>
        %swap3A = arith.index_cast %add3A_91 : i32 to index
        %swap3A_119 = arith.constant 0 : index
        %swap3A_120 = tpu.vector_load %arg5[%swap3A, %swap3A_119] {strides = array<i32>} : memref<40x128xi32, #tpu.memory_space<vmem>>, vector<1x16xi32>,
        %swap3A_121 = vector.shape_cast %swap3A_120 : vector<1x16xi32> to vector<16xi32>
        %swap3A_122 = vector.shape_cast %select_n3A_118 : vector<16xi32> to vector<1x16xi32>
        tpu.vector_store %arg5[%swap3A, %swap3A_119], %swap3A_122 {strides = array<i32>} : memref<40x128xi32, #tpu.memory_space<vmem>>, vector<1x16xi32>,
        %get3A_123 = arith.index_cast %add3A_91 : i32 to index
        %get3A_124 = arith.constant 16 : index
        %get3A_125 = tpu.vector_load %arg5[%get3A_123, %get3A_124] {strides = array<i32>} : memref<40x128xi32, #tpu.memory_space<vmem>>, vector<1x16xi32>,
        %get3A_126 = vector.shape_cast %get3A_125 : vector<1x16xi32> to vector<16xi32>
        %get3A_127 = arith.index_cast %add3A_91 : i32 to index
        %get3A_128 = arith.constant 16 : index
        %get3A_129 = tpu.vector_load %arg6[%get3A_127, %get3A_128] {strides = array<i32>} : memref<40x128xi32, #tpu.memory_space<vmem>>, vector<1x16xi32>,
        %get3A_130 = vector.shape_cast %get3A_129 : vector<1x16xi32> to vector<16xi32>
        %jit3A_131 = arith.constant 6 : i32
        %eq3A_132 = arith.constant 0 : i32
        %eq3A_133 = arith.cmpi eq, %jit3A_131, %eq3A_132 : i32
        %jit3A_134 = arith.constant 1 : i32
        %select_n3A_135 = arith.select %eq3A_133, %jit3A_134, %jit3A_131 : i32
        %rem3A_136 = arith.remsi %add3A_91, %select_n3A_135 : i32
        %ne3A_137 = arith.constant 0 : i32
        %ne3A_138 = arith.cmpi ne, %rem3A_136, %ne3A_137 : i32
        %lt3A_139 = arith.constant 0 : i32
        %lt3A_140 = arith.cmpi slt, %rem3A_136, %lt3A_139 : i32
        %lt3A_141 = arith.constant 0 : i32
        %lt3A_142 = arith.cmpi slt, %select_n3A_135, %lt3A_141 : i32
        %ne3A_143 = arith.xori %lt3A_140, %lt3A_142 : i1
        %and3A_144 = arith.andi %ne3A_143, %ne3A_138 : i1
        %add3A_145 = arith.addi %rem3A_136, %select_n3A_135 : i32
        %select_n3A_146 = arith.select %and3A_144, %add3A_145, %rem3A_136 : i32
        %mul3A_147 = arith.constant 16 : i32
        %mul3A_148 = arith.muli %select_n3A_146, %mul3A_147 : i32
        %add3A_149 = arith.constant 10000 : i32
        %add3A_150 = arith.addi %add3A_149, %mul3A_148 : i32
        %iota3A_151 = tpu.iota {dimensions = array<i32: 0>} : vector<16xi32>
        %add3A_152 = vector.broadcast %add3A_150 : i32 to vector<16xi32>
        %add3A_153 = arith.addi %add3A_152, %iota3A_151 : vector<16xi32>
        %eq3A_154 = arith.cmpi eq, %get3A_126, %get3A_130 : vector<16xi32>
        %select_n3A_155 = arith.select %eq3A_154, %add3A_153, %get3A_126 : vector<16xi1>, vector<16xi32>
        %swap3A_156 = arith.index_cast %add3A_91 : i32 to index
        %swap3A_157 = arith.constant 16 : index
        %swap3A_158 = tpu.vector_load %arg5[%swap3A_156, %swap3A_157] {strides = array<i32>} : memref<40x128xi32, #tpu.memory_space<vmem>>, vector<1x16xi32>,
        %swap3A_159 = vector.shape_cast %swap3A_158 : vector<1x16xi32> to vector<16xi32>
        %swap3A_160 = vector.shape_cast %select_n3A_155 : vector<16xi32> to vector<1x16xi32>
        tpu.vector_store %arg5[%swap3A_156, %swap3A_157], %swap3A_160 {strides = array<i32>} : memref<40x128xi32, #tpu.memory_space<vmem>>, vector<1x16xi32>,
        %get3A_161 = arith.index_cast %add3A_91 : i32 to index
        %get3A_162 = arith.constant 32 : index
        %get3A_163 = tpu.vector_load %arg5[%get3A_161, %get3A_162] {strides = array<i32>} : memref<40x128xi32, #tpu.memory_space<vmem>>, vector<1x16xi32>,
        %get3A_164 = vector.shape_cast %get3A_163 : vector<1x16xi32> to vector<16xi32>
        %get3A_165 = arith.index_cast %add3A_91 : i32 to index
        %get3A_166 = arith.constant 32 : index
        %get3A_167 = tpu.vector_load %arg6[%get3A_165, %get3A_166] {strides = array<i32>} : memref<40x128xi32, #tpu.memory_space<vmem>>, vector<1x16xi32>,
        %get3A_168 = vector.shape_cast %get3A_167 : vector<1x16xi32> to vector<16xi32>
        %jit3A_169 = arith.constant 6 : i32
        %eq3A_170 = arith.constant 0 : i32
        %eq3A_171 = arith.cmpi eq, %jit3A_169, %eq3A_170 : i32
        %jit3A_172 = arith.constant 1 : i32
        %select_n3A_173 = arith.select %eq3A_171, %jit3A_172, %jit3A_169 : i32
        %rem3A_174 = arith.remsi %add3A_91, %select_n3A_173 : i32
        %ne3A_175 = arith.constant 0 : i32
        %ne3A_176 = arith.cmpi ne, %rem3A_174, %ne3A_175 : i32
        %lt3A_177 = arith.constant 0 : i32
        %lt3A_178 = arith.cmpi slt, %rem3A_174, %lt3A_177 : i32
        %lt3A_179 = arith.constant 0 : i32
        %lt3A_180 = arith.cmpi slt, %select_n3A_173, %lt3A_179 : i32
        %ne3A_181 = arith.xori %lt3A_178, %lt3A_180 : i1
        %and3A_182 = arith.andi %ne3A_181, %ne3A_176 : i1
        %add3A_183 = arith.addi %rem3A_174, %select_n3A_173 : i32
        %select_n3A_184 = arith.select %and3A_182, %add3A_183, %rem3A_174 : i32
        %mul3A_185 = arith.constant 16 : i32
        %mul3A_186 = arith.muli %select_n3A_184, %mul3A_185 : i32
        %add3A_187 = arith.constant 10000 : i32
        %add3A_188 = arith.addi %add3A_187, %mul3A_186 : i32
        %iota3A_189 = tpu.iota {dimensions = array<i32: 0>} : vector<16xi32>
        %add3A_190 = vector.broadcast %add3A_188 : i32 to vector<16xi32>
        %add3A_191 = arith.addi %add3A_190, %iota3A_189 : vector<16xi32>
        %eq3A_192 = arith.cmpi eq, %get3A_164, %get3A_168 : vector<16xi32>
        %select_n3A_193 = arith.select %eq3A_192, %add3A_191, %get3A_164 : vector<16xi1>, vector<16xi32>
        %swap3A_194 = arith.index_cast %add3A_91 : i32 to index
        %swap3A_195 = arith.constant 32 : index
        %swap3A_196 = tpu.vector_load %arg5[%swap3A_194, %swap3A_195] {strides = array<i32>} : memref<40x128xi32, #tpu.memory_space<vmem>>, vector<1x16xi32>,
        %swap3A_197 = vector.shape_cast %swap3A_196 : vector<1x16xi32> to vector<16xi32>
        %swap3A_198 = vector.shape_cast %select_n3A_193 : vector<16xi32> to vector<1x16xi32>
        tpu.vector_store %arg5[%swap3A_194, %swap3A_195], %swap3A_198 {strides = array<i32>} : memref<40x128xi32, #tpu.memory_space<vmem>>, vector<1x16xi32>,
        %get3A_199 = arith.index_cast %add3A_91 : i32 to index
        %get3A_200 = arith.constant 48 : index
        %get3A_201 = tpu.vector_load %arg5[%get3A_199, %get3A_200] {strides = array<i32>} : memref<40x128xi32, #tpu.memory_space<vmem>>, vector<1x16xi32>,
        %get3A_202 = vector.shape_cast %get3A_201 : vector<1x16xi32> to vector<16xi32>
        %get3A_203 = arith.index_cast %add3A_91 : i32 to index
        %get3A_204 = arith.constant 48 : index
        %get3A_205 = tpu.vector_load %arg6[%get3A_203, %get3A_204] {strides = array<i32>} : memref<40x128xi32, #tpu.memory_space<vmem>>, vector<1x16xi32>,
        %get3A_206 = vector.shape_cast %get3A_205 : vector<1x16xi32> to vector<16xi32>
        %jit3A_207 = arith.constant 6 : i32
        %eq3A_208 = arith.constant 0 : i32
        %eq3A_209 = arith.cmpi eq, %jit3A_207, %eq3A_208 : i32
        %jit3A_210 = arith.constant 1 : i32
        %select_n3A_211 = arith.select %eq3A_209, %jit3A_210, %jit3A_207 : i32
        %rem3A_212 = arith.remsi %add3A_91, %select_n3A_211 : i32
        %ne3A_213 = arith.constant 0 : i32
        %ne3A_214 = arith.cmpi ne, %rem3A_212, %ne3A_213 : i32
        %lt3A_215 = arith.constant 0 : i32
        %lt3A_216 = arith.cmpi slt, %rem3A_212, %lt3A_215 : i32
        %lt3A_217 = arith.constant 0 : i32
        %lt3A_218 = arith.cmpi slt, %select_n3A_211, %lt3A_217 : i32
        %ne3A_219 = arith.xori %lt3A_216, %lt3A_218 : i1
        %and3A_220 = arith.andi %ne3A_219, %ne3A_214 : i1
        %add3A_221 = arith.addi %rem3A_212, %select_n3A_211 : i32
        %select_n3A_222 = arith.select %and3A_220, %add3A_221, %rem3A_212 : i32
        %mul3A_223 = arith.constant 16 : i32
        %mul3A_224 = arith.muli %select_n3A_222, %mul3A_223 : i32
        %add3A_225 = arith.constant 10000 : i32
        %add3A_226 = arith.addi %add3A_225, %mul3A_224 : i32
        %iota3A_227 = tpu.iota {dimensions = array<i32: 0>} : vector<16xi32>
        %add3A_228 = vector.broadcast %add3A_226 : i32 to vector<16xi32>
        %add3A_229 = arith.addi %add3A_228, %iota3A_227 : vector<16xi32>
        %eq3A_230 = arith.cmpi eq, %get3A_202, %get3A_206 : vector<16xi32>
        %select_n3A_231 = arith.select %eq3A_230, %add3A_229, %get3A_202 : vector<16xi1>, vector<16xi32>
        %swap3A_232 = arith.index_cast %add3A_91 : i32 to index
        %swap3A_233 = arith.constant 48 : index
        %swap3A_234 = tpu.vector_load %arg5[%swap3A_232, %swap3A_233] {strides = array<i32>} : memref<40x128xi32, #tpu.memory_space<vmem>>, vector<1x16xi32>,
        %swap3A_235 = vector.shape_cast %swap3A_234 : vector<1x16xi32> to vector<16xi32>
        %swap3A_236 = vector.shape_cast %select_n3A_231 : vector<16xi32> to vector<1x16xi32>
        tpu.vector_store %arg5[%swap3A_232, %swap3A_233], %swap3A_236 {strides = array<i32>} : memref<40x128xi32, #tpu.memory_space<vmem>>, vector<1x16xi32>,
        %get3A_237 = arith.index_cast %add3A_91 : i32 to index
        %get3A_238 = arith.constant 64 : index
        %get3A_239 = tpu.vector_load %arg5[%get3A_237, %get3A_238] {strides = array<i32>} : memref<40x128xi32, #tpu.memory_space<vmem>>, vector<1x16xi32>,
        %get3A_240 = vector.shape_cast %get3A_239 : vector<1x16xi32> to vector<16xi32>
        %get3A_241 = arith.index_cast %add3A_91 : i32 to index
        %get3A_242 = arith.constant 64 : index
        %get3A_243 = tpu.vector_load %arg6[%get3A_241, %get3A_242] {strides = array<i32>} : memref<40x128xi32, #tpu.memory_space<vmem>>, vector<1x16xi32>,
        %get3A_244 = vector.shape_cast %get3A_243 : vector<1x16xi32> to vector<16xi32>
        %jit3A_245 = arith.constant 6 : i32
        %eq3A_246 = arith.constant 0 : i32
        %eq3A_247 = arith.cmpi eq, %jit3A_245, %eq3A_246 : i32
        %jit3A_248 = arith.constant 1 : i32
        %select_n3A_249 = arith.select %eq3A_247, %jit3A_248, %jit3A_245 : i32
        %rem3A_250 = arith.remsi %add3A_91, %select_n3A_249 : i32
        %ne3A_251 = arith.constant 0 : i32
        %ne3A_252 = arith.cmpi ne, %rem3A_250, %ne3A_251 : i32
        %lt3A_253 = arith.constant 0 : i32
        %lt3A_254 = arith.cmpi slt, %rem3A_250, %lt3A_253 : i32
        %lt3A_255 = arith.constant 0 : i32
        %lt3A_256 = arith.cmpi slt, %select_n3A_249, %lt3A_255 : i32
        %ne3A_257 = arith.xori %lt3A_254, %lt3A_256 : i1
        %and3A_258 = arith.andi %ne3A_257, %ne3A_252 : i1
        %add3A_259 = arith.addi %rem3A_250, %select_n3A_249 : i32
        %select_n3A_260 = arith.select %and3A_258, %add3A_259, %rem3A_250 : i32
        %mul3A_261 = arith.constant 16 : i32
        %mul3A_262 = arith.muli %select_n3A_260, %mul3A_261 : i32
        %add3A_263 = arith.constant 10000 : i32
        %add3A_264 = arith.addi %add3A_263, %mul3A_262 : i32
        %iota3A_265 = tpu.iota {dimensions = array<i32: 0>} : vector<16xi32>
        %add3A_266 = vector.broadcast %add3A_264 : i32 to vector<16xi32>
        %add3A_267 = arith.addi %add3A_266, %iota3A_265 : vector<16xi32>
        %eq3A_268 = arith.cmpi eq, %get3A_240, %get3A_244 : vector<16xi32>
        %select_n3A_269 = arith.select %eq3A_268, %add3A_267, %get3A_240 : vector<16xi1>, vector<16xi32>
        %swap3A_270 = arith.index_cast %add3A_91 : i32 to index
        %swap3A_271 = arith.constant 64 : index
        %swap3A_272 = tpu.vector_load %arg5[%swap3A_270, %swap3A_271] {strides = array<i32>} : memref<40x128xi32, #tpu.memory_space<vmem>>, vector<1x16xi32>,
        %swap3A_273 = vector.shape_cast %swap3A_272 : vector<1x16xi32> to vector<16xi32>
        %swap3A_274 = vector.shape_cast %select_n3A_269 : vector<16xi32> to vector<1x16xi32>
        tpu.vector_store %arg5[%swap3A_270, %swap3A_271], %swap3A_274 {strides = array<i32>} : memref<40x128xi32, #tpu.memory_space<vmem>>, vector<1x16xi32>,
        %get3A_275 = arith.index_cast %add3A_91 : i32 to index
        %get3A_276 = arith.constant 80 : index
        %get3A_277 = tpu.vector_load %arg5[%get3A_275, %get3A_276] {strides = array<i32>} : memref<40x128xi32, #tpu.memory_space<vmem>>, vector<1x16xi32>,
        %get3A_278 = vector.shape_cast %get3A_277 : vector<1x16xi32> to vector<16xi32>
        %get3A_279 = arith.index_cast %add3A_91 : i32 to index
        %get3A_280 = arith.constant 80 : index
        %get3A_281 = tpu.vector_load %arg6[%get3A_279, %get3A_280] {strides = array<i32>} : memref<40x128xi32, #tpu.memory_space<vmem>>, vector<1x16xi32>,
        %get3A_282 = vector.shape_cast %get3A_281 : vector<1x16xi32> to vector<16xi32>
        %jit3A_283 = arith.constant 6 : i32
        %eq3A_284 = arith.constant 0 : i32
        %eq3A_285 = arith.cmpi eq, %jit3A_283, %eq3A_284 : i32
        %jit3A_286 = arith.constant 1 : i32
        %select_n3A_287 = arith.select %eq3A_285, %jit3A_286, %jit3A_283 : i32
        %rem3A_288 = arith.remsi %add3A_91, %select_n3A_287 : i32
        %ne3A_289 = arith.constant 0 : i32
        %ne3A_290 = arith.cmpi ne, %rem3A_288, %ne3A_289 : i32
        %lt3A_291 = arith.constant 0 : i32
        %lt3A_292 = arith.cmpi slt, %rem3A_288, %lt3A_291 : i32
        %lt3A_293 = arith.constant 0 : i32
        %lt3A_294 = arith.cmpi slt, %select_n3A_287, %lt3A_293 : i32
        %ne3A_295 = arith.xori %lt3A_292, %lt3A_294 : i1
        %and3A_296 = arith.andi %ne3A_295, %ne3A_290 : i1
        %add3A_297 = arith.addi %rem3A_288, %select_n3A_287 : i32
        %select_n3A_298 = arith.select %and3A_296, %add3A_297, %rem3A_288 : i32
        %mul3A_299 = arith.constant 16 : i32
        %mul3A_300 = arith.muli %select_n3A_298, %mul3A_299 : i32
        %add3A_301 = arith.constant 10000 : i32
        %add3A_302 = arith.addi %add3A_301, %mul3A_300 : i32
        %iota3A_303 = tpu.iota {dimensions = array<i32: 0>} : vector<16xi32>
        %add3A_304 = vector.broadcast %add3A_302 : i32 to vector<16xi32>
        %add3A_305 = arith.addi %add3A_304, %iota3A_303 : vector<16xi32>
        %eq3A_306 = arith.cmpi eq, %get3A_278, %get3A_282 : vector<16xi32>
        %select_n3A_307 = arith.select %eq3A_306, %add3A_305, %get3A_278 : vector<16xi1>, vector<16xi32>
        %swap3A_308 = arith.index_cast %add3A_91 : i32 to index
        %swap3A_309 = arith.constant 80 : index
        %swap3A_310 = tpu.vector_load %arg5[%swap3A_308, %swap3A_309] {strides = array<i32>} : memref<40x128xi32, #tpu.memory_space<vmem>>, vector<1x16xi32>,
        %swap3A_311 = vector.shape_cast %swap3A_310 : vector<1x16xi32> to vector<16xi32>
        %swap3A_312 = vector.shape_cast %select_n3A_307 : vector<16xi32> to vector<1x16xi32>
        tpu.vector_store %arg5[%swap3A_308, %swap3A_309], %swap3A_312 {strides = array<i32>} : memref<40x128xi32, #tpu.memory_space<vmem>>, vector<1x16xi32>,
        %get3A_313 = arith.index_cast %add3A_91 : i32 to index
        %get3A_314 = arith.constant 96 : index
        %get3A_315 = tpu.vector_load %arg5[%get3A_313, %get3A_314] {strides = array<i32>} : memref<40x128xi32, #tpu.memory_space<vmem>>, vector<1x16xi32>,
        %get3A_316 = vector.shape_cast %get3A_315 : vector<1x16xi32> to vector<16xi32>
        %get3A_317 = arith.index_cast %add3A_91 : i32 to index
        %get3A_318 = arith.constant 96 : index
        %get3A_319 = tpu.vector_load %arg6[%get3A_317, %get3A_318] {strides = array<i32>} : memref<40x128xi32, #tpu.memory_space<vmem>>, vector<1x16xi32>,
        %get3A_320 = vector.shape_cast %get3A_319 : vector<1x16xi32> to vector<16xi32>
        %jit3A_321 = arith.constant 6 : i32
        %eq3A_322 = arith.constant 0 : i32
        %eq3A_323 = arith.cmpi eq, %jit3A_321, %eq3A_322 : i32
        %jit3A_324 = arith.constant 1 : i32
        %select_n3A_325 = arith.select %eq3A_323, %jit3A_324, %jit3A_321 : i32
        %rem3A_326 = arith.remsi %add3A_91, %select_n3A_325 : i32
        %ne3A_327 = arith.constant 0 : i32
        %ne3A_328 = arith.cmpi ne, %rem3A_326, %ne3A_327 : i32
        %lt3A_329 = arith.constant 0 : i32
        %lt3A_330 = arith.cmpi slt, %rem3A_326, %lt3A_329 : i32
        %lt3A_331 = arith.constant 0 : i32
        %lt3A_332 = arith.cmpi slt, %select_n3A_325, %lt3A_331 : i32
        %ne3A_333 = arith.xori %lt3A_330, %lt3A_332 : i1
        %and3A_334 = arith.andi %ne3A_333, %ne3A_328 : i1
        %add3A_335 = arith.addi %rem3A_326, %select_n3A_325 : i32
        %select_n3A_336 = arith.select %and3A_334, %add3A_335, %rem3A_326 : i32
        %mul3A_337 = arith.constant 16 : i32
        %mul3A_338 = arith.muli %select_n3A_336, %mul3A_337 : i32
        %add3A_339 = arith.constant 10000 : i32
        %add3A_340 = arith.addi %add3A_339, %mul3A_338 : i32
        %iota3A_341 = tpu.iota {dimensions = array<i32: 0>} : vector<16xi32>
        %add3A_342 = vector.broadcast %add3A_340 : i32 to vector<16xi32>
        %add3A_343 = arith.addi %add3A_342, %iota3A_341 : vector<16xi32>
        %eq3A_344 = arith.cmpi eq, %get3A_316, %get3A_320 : vector<16xi32>
        %select_n3A_345 = arith.select %eq3A_344, %add3A_343, %get3A_316 : vector<16xi1>, vector<16xi32>
        %swap3A_346 = arith.index_cast %add3A_91 : i32 to index
        %swap3A_347 = arith.constant 96 : index
        %swap3A_348 = tpu.vector_load %arg5[%swap3A_346, %swap3A_347] {strides = array<i32>} : memref<40x128xi32, #tpu.memory_space<vmem>>, vector<1x16xi32>,
        %swap3A_349 = vector.shape_cast %swap3A_348 : vector<1x16xi32> to vector<16xi32>
        %swap3A_350 = vector.shape_cast %select_n3A_345 : vector<16xi32> to vector<1x16xi32>
        tpu.vector_store %arg5[%swap3A_346, %swap3A_347], %swap3A_350 {strides = array<i32>} : memref<40x128xi32, #tpu.memory_space<vmem>>, vector<1x16xi32>,
        %get3A_351 = arith.index_cast %add3A_91 : i32 to index
        %get3A_352 = arith.constant 112 : index
        %get3A_353 = tpu.vector_load %arg5[%get3A_351, %get3A_352] {strides = array<i32>} : memref<40x128xi32, #tpu.memory_space<vmem>>, vector<1x16xi32>,
        %get3A_354 = vector.shape_cast %get3A_353 : vector<1x16xi32> to vector<16xi32>
        %get3A_355 = arith.index_cast %add3A_91 : i32 to index
        %get3A_356 = arith.constant 112 : index
        %get3A_357 = tpu.vector_load %arg6[%get3A_355, %get3A_356] {strides = array<i32>} : memref<40x128xi32, #tpu.memory_space<vmem>>, vector<1x16xi32>,
        %get3A_358 = vector.shape_cast %get3A_357 : vector<1x16xi32> to vector<16xi32>
        %jit3A_359 = arith.constant 6 : i32
        %eq3A_360 = arith.constant 0 : i32
        %eq3A_361 = arith.cmpi eq, %jit3A_359, %eq3A_360 : i32
        %jit3A_362 = arith.constant 1 : i32
        %select_n3A_363 = arith.select %eq3A_361, %jit3A_362, %jit3A_359 : i32
        %rem3A_364 = arith.remsi %add3A_91, %select_n3A_363 : i32
        %ne3A_365 = arith.constant 0 : i32
        %ne3A_366 = arith.cmpi ne, %rem3A_364, %ne3A_365 : i32
        %lt3A_367 = arith.constant 0 : i32
        %lt3A_368 = arith.cmpi slt, %rem3A_364, %lt3A_367 : i32
        %lt3A_369 = arith.constant 0 : i32
        %lt3A_370 = arith.cmpi slt, %select_n3A_363, %lt3A_369 : i32
        %ne3A_371 = arith.xori %lt3A_368, %lt3A_370 : i1
        %and3A_372 = arith.andi %ne3A_371, %ne3A_366 : i1
        %add3A_373 = arith.addi %rem3A_364, %select_n3A_363 : i32
        %select_n3A_374 = arith.select %and3A_372, %add3A_373, %rem3A_364 : i32
        %mul3A_375 = arith.constant 16 : i32
        %mul3A_376 = arith.muli %select_n3A_374, %mul3A_375 : i32
        %add3A_377 = arith.constant 10000 : i32
        %add3A_378 = arith.addi %add3A_377, %mul3A_376 : i32
        %iota3A_379 = tpu.iota {dimensions = array<i32: 0>} : vector<16xi32>
        %add3A_380 = vector.broadcast %add3A_378 : i32 to vector<16xi32>
        %add3A_381 = arith.addi %add3A_380, %iota3A_379 : vector<16xi32>
        %eq3A_382 = arith.cmpi eq, %get3A_354, %get3A_358 : vector<16xi32>
        %select_n3A_383 = arith.select %eq3A_382, %add3A_381, %get3A_354 : vector<16xi1>, vector<16xi32>
        %swap3A_384 = arith.index_cast %add3A_91 : i32 to index
        %swap3A_385 = arith.constant 112 : index
        %swap3A_386 = tpu.vector_load %arg5[%swap3A_384, %swap3A_385] {strides = array<i32>} : memref<40x128xi32, #tpu.memory_space<vmem>>, vector<1x16xi32>,
        %swap3A_387 = vector.shape_cast %swap3A_386 : vector<1x16xi32> to vector<16xi32>
        %swap3A_388 = vector.shape_cast %select_n3A_383 : vector<16xi32> to vector<1x16xi32>
        tpu.vector_store %arg5[%swap3A_384, %swap3A_385], %swap3A_388 {strides = array<i32>} : memref<40x128xi32, #tpu.memory_space<vmem>>, vector<1x16xi32>,
      }
      %scan3A_68 = arith.constant 40 : i32
      %dma_start3A = arith.constant 0 : i32
      %dma_start3A_69 = arith.constant 0 : i32
      %dma_start3A_70 = tpu.memref_slice %arg6[%dma_start3A, %dma_start3A_69] : memref<40x128xi32, #tpu.memory_space<vmem>> -> memref<1x128xi32, #tpu.memory_space<vmem>>
      %dma_start3A_71 = tpu.memref_squeeze %dma_start3A_70 : memref<1x128xi32, #tpu.memory_space<vmem>> -> memref<128xi32, #tpu.memory_space<vmem>>
      %dma_start3A_72 = arith.constant 0 : i32
      %dma_start3A_73 = arith.constant 0 : i32
      %dma_start3A_74 = tpu.memref_slice %arg3[%dma_start3A_72, %dma_start3A_73] : memref<10000x128xf32, #tpu.memory_space<hbm>> -> memref<10000x128xf32, #tpu.memory_space<hbm>>
      tpu.enqueue_indirect_dma source(%dma_start3A_74 : memref<10000x128xf32, #tpu.memory_space<hbm>>) target(%arg7 : memref<128x128xf32, #tpu.memory_space<vmem>>) offsets(%dma_start3A_71 : memref<128xi32, #tpu.memory_space<vmem>>) semaphore(%arg10 : memref<!tpu.dma_semaphore, #tpu.memory_space<semaphore_mem>>)
      %dma_start3A_75 = arith.constant 1 : i32
      %dma_start3A_76 = arith.constant 0 : i32
      %dma_start3A_77 = tpu.memref_slice %arg6[%dma_start3A_75, %dma_start3A_76] : memref<40x128xi32, #tpu.memory_space<vmem>> -> memref<1x128xi32, #tpu.memory_space<vmem>>
      %dma_start3A_78 = tpu.memref_squeeze %dma_start3A_77 : memref<1x128xi32, #tpu.memory_space<vmem>> -> memref<128xi32, #tpu.memory_space<vmem>>
      %dma_start3A_79 = arith.constant 0 : i32
      %dma_start3A_80 = arith.constant 0 : i32
      %dma_start3A_81 = tpu.memref_slice %arg3[%dma_start3A_79, %dma_start3A_80] : memref<10000x128xf32, #tpu.memory_space<hbm>> -> memref<10000x128xf32, #tpu.memory_space<hbm>>
      tpu.enqueue_indirect_dma source(%dma_start3A_81 : memref<10000x128xf32, #tpu.memory_space<hbm>>) target(%arg8 : memref<128x128xf32, #tpu.memory_space<vmem>>) offsets(%dma_start3A_78 : memref<128xi32, #tpu.memory_space<vmem>>) semaphore(%arg11 : memref<!tpu.dma_semaphore, #tpu.memory_space<semaphore_mem>>)
      %scan3A_82 = arith.constant 0 : i32
      %scan3A_83 = arith.constant 20 : i32
      %scan3A_84 = arith.addi %scan3A_82, %scan3A_83 : i32
      %scan3A_85 = arith.constant 1 : i32
      scf.for %scan3A_87 = %scan3A_82 to %scan3A_84 step %scan3A_85  : i32 {
        %mul3A_88 = arith.constant 2 : i32
        %mul3A_89 = arith.muli %scan3A_87, %mul3A_88 : i32
        %add3A_90 = arith.constant 0 : i32
        %add3A_91 = arith.addi %add3A_90, %mul3A_89 : i32
        %dma_wait3A = arith.constant 0 : i32
        %dma_wait3A_92 = arith.constant 0 : i32
        %dma_wait3A_93 = tpu.memref_slice %arg3[%dma_wait3A, %dma_wait3A_92] : memref<10000x128xf32, #tpu.memory_space<hbm>> -> memref<128x128xf32, #tpu.memory_space<hbm>>
        %dma_wait3A_94 = arith.constant 0 : i32
        %dma_wait3A_95 = arith.constant 0 : i32
        %dma_wait3A_96 = tpu.memref_slice %arg3[%dma_wait3A_94, %dma_wait3A_95] : memref<10000x128xf32, #tpu.memory_space<hbm>> -> memref<128x128xf32, #tpu.memory_space<hbm>>
        tpu.wait_dma2 semaphore(%arg10 : memref<!tpu.dma_semaphore, #tpu.memory_space<semaphore_mem>>) src(%dma_wait3A_96 : memref<128x128xf32, #tpu.memory_space<hbm>>) dst(%arg7 : memref<128x128xf32, #tpu.memory_space<vmem>>)
        "tpu.region"() ({
          %run_scoped3A_116 = tpu.sem_alloc : memref<!tpu.dma_semaphore, #tpu.memory_space<semaphore_mem>>
          %dma_start3A_117 = arith.constant 0 : i32
          %dma_start3A_118 = tpu.memref_slice %arg5[%add3A_91, %dma_start3A_117] : memref<40x128xi32, #tpu.memory_space<vmem>> -> memref<1x128xi32, #tpu.memory_space<vmem>>
          %dma_start3A_119 = tpu.memref_squeeze %dma_start3A_118 : memref<1x128xi32, #tpu.memory_space<vmem>> -> memref<128xi32, #tpu.memory_space<vmem>>
          %dma_start3A_120 = arith.constant 0 : i32
          %dma_start3A_121 = arith.constant 0 : i32
          %dma_start3A_122 = tpu.memref_slice %arg9[%dma_start3A_120, %dma_start3A_121] : memref<10112x128xf32, #tpu.memory_space<vmem_shared>> -> memref<10112x128xf32, #tpu.memory_space<vmem_shared>>
          tpu.enqueue_indirect_dma source(%arg7 : memref<128x128xf32, #tpu.memory_space<vmem>>) target(%dma_start3A_122 : memref<10112x128xf32, #tpu.memory_space<vmem_shared>>) offsets(%dma_start3A_119 : memref<128xi32, #tpu.memory_space<vmem>>) semaphore(%run_scoped3A_116 : memref<!tpu.dma_semaphore, #tpu.memory_space<semaphore_mem>>) {add = true}
          %dma_wait3A_123 = arith.constant 0 : i32
          %dma_wait3A_124 = tpu.memref_slice %arg5[%add3A_91, %dma_wait3A_123] : memref<40x128xi32, #tpu.memory_space<vmem>> -> memref<1x128xi32, #tpu.memory_space<vmem>>
          %dma_wait3A_125 = tpu.memref_squeeze %dma_wait3A_124 : memref<1x128xi32, #tpu.memory_space<vmem>> -> memref<128xi32, #tpu.memory_space<vmem>>
          %dma_wait3A_126 = arith.constant 0 : i32
          %dma_wait3A_127 = arith.constant 0 : i32
          %dma_wait3A_128 = tpu.memref_slice %arg9[%dma_wait3A_126, %dma_wait3A_127] : memref<10112x128xf32, #tpu.memory_space<vmem_shared>> -> memref<10112x128xf32, #tpu.memory_space<vmem_shared>>
          tpu.wait_indirect_dma semaphore(%run_scoped3A_116 : memref<!tpu.dma_semaphore, #tpu.memory_space<semaphore_mem>>) src(%arg7 : memref<128x128xf32, #tpu.memory_space<vmem>>) dst(%dma_wait3A_128 : memref<10112x128xf32, #tpu.memory_space<vmem_shared>>)
          tpu.yield
        }) : () -> ()
        %add3A_97 = arith.constant 2 : i32
        %add3A_98 = arith.addi %add3A_91, %add3A_97 : i32
        %lt3A = arith.constant 40 : i32
        %lt3A_99 = arith.cmpi slt, %add3A_98, %lt3A : i32
        %convert_element_type3A = arith.extui %lt3A_99 : i1 to i32
        %cond3A = arith.constant 0 : i32
        %cond3A_100 = arith.cmpi ne, %convert_element_type3A, %cond3A : i32
        scf.if %cond3A_100 {
          %add3A_116 = arith.constant 2 : i32
          %add3A_117 = arith.addi %add3A_91, %add3A_116 : i32
          %dma_start3A_118 = arith.constant 0 : i32
          %dma_start3A_119 = tpu.memref_slice %arg6[%add3A_117, %dma_start3A_118] : memref<40x128xi32, #tpu.memory_space<vmem>> -> memref<1x128xi32, #tpu.memory_space<vmem>>
          %dma_start3A_120 = tpu.memref_squeeze %dma_start3A_119 : memref<1x128xi32, #tpu.memory_space<vmem>> -> memref<128xi32, #tpu.memory_space<vmem>>
          %dma_start3A_121 = arith.constant 0 : i32
          %dma_start3A_122 = arith.constant 0 : i32
          %dma_start3A_123 = tpu.memref_slice %arg3[%dma_start3A_121, %dma_start3A_122] : memref<10000x128xf32, #tpu.memory_space<hbm>> -> memref<10000x128xf32, #tpu.memory_space<hbm>>
          tpu.enqueue_indirect_dma source(%dma_start3A_123 : memref<10000x128xf32, #tpu.memory_space<hbm>>) target(%arg7 : memref<128x128xf32, #tpu.memory_space<vmem>>) offsets(%dma_start3A_120 : memref<128xi32, #tpu.memory_space<vmem>>) semaphore(%arg10 : memref<!tpu.dma_semaphore, #tpu.memory_space<semaphore_mem>>)
        } else {
        }
        %dma_wait3A_101 = arith.constant 0 : i32
        %dma_wait3A_102 = arith.constant 0 : i32
        %dma_wait3A_103 = tpu.memref_slice %arg3[%dma_wait3A_101, %dma_wait3A_102] : memref<10000x128xf32, #tpu.memory_space<hbm>> -> memref<128x128xf32, #tpu.memory_space<hbm>>
        %dma_wait3A_104 = arith.constant 0 : i32
        %dma_wait3A_105 = arith.constant 0 : i32
        %dma_wait3A_106 = tpu.memref_slice %arg3[%dma_wait3A_104, %dma_wait3A_105] : memref<10000x128xf32, #tpu.memory_space<hbm>> -> memref<128x128xf32, #tpu.memory_space<hbm>>
        tpu.wait_dma2 semaphore(%arg11 : memref<!tpu.dma_semaphore, #tpu.memory_space<semaphore_mem>>) src(%dma_wait3A_106 : memref<128x128xf32, #tpu.memory_space<hbm>>) dst(%arg8 : memref<128x128xf32, #tpu.memory_space<vmem>>)
        %add3A_107 = arith.constant 1 : i32
        %add3A_108 = arith.addi %add3A_91, %add3A_107 : i32
        "tpu.region"() ({
          %run_scoped3A_116 = tpu.sem_alloc : memref<!tpu.dma_semaphore, #tpu.memory_space<semaphore_mem>>
          %dma_start3A_117 = arith.constant 0 : i32
          %dma_start3A_118 = tpu.memref_slice %arg5[%add3A_108, %dma_start3A_117] : memref<40x128xi32, #tpu.memory_space<vmem>> -> memref<1x128xi32, #tpu.memory_space<vmem>>
          %dma_start3A_119 = tpu.memref_squeeze %dma_start3A_118 : memref<1x128xi32, #tpu.memory_space<vmem>> -> memref<128xi32, #tpu.memory_space<vmem>>
          %dma_start3A_120 = arith.constant 0 : i32
          %dma_start3A_121 = arith.constant 0 : i32
          %dma_start3A_122 = tpu.memref_slice %arg9[%dma_start3A_120, %dma_start3A_121] : memref<10112x128xf32, #tpu.memory_space<vmem_shared>> -> memref<10112x128xf32, #tpu.memory_space<vmem_shared>>
          tpu.enqueue_indirect_dma source(%arg8 : memref<128x128xf32, #tpu.memory_space<vmem>>) target(%dma_start3A_122 : memref<10112x128xf32, #tpu.memory_space<vmem_shared>>) offsets(%dma_start3A_119 : memref<128xi32, #tpu.memory_space<vmem>>) semaphore(%run_scoped3A_116 : memref<!tpu.dma_semaphore, #tpu.memory_space<semaphore_mem>>) {add = true}
          %dma_wait3A_123 = arith.constant 0 : i32
          %dma_wait3A_124 = tpu.memref_slice %arg5[%add3A_108, %dma_wait3A_123] : memref<40x128xi32, #tpu.memory_space<vmem>> -> memref<1x128xi32, #tpu.memory_space<vmem>>
          %dma_wait3A_125 = tpu.memref_squeeze %dma_wait3A_124 : memref<1x128xi32, #tpu.memory_space<vmem>> -> memref<128xi32, #tpu.memory_space<vmem>>
          %dma_wait3A_126 = arith.constant 0 : i32
          %dma_wait3A_127 = arith.constant 0 : i32
          %dma_wait3A_128 = tpu.memref_slice %arg9[%dma_wait3A_126, %dma_wait3A_127] : memref<10112x128xf32, #tpu.memory_space<vmem_shared>> -> memref<10112x128xf32, #tpu.memory_space<vmem_shared>>
          tpu.wait_indirect_dma semaphore(%run_scoped3A_116 : memref<!tpu.dma_semaphore, #tpu.memory_space<semaphore_mem>>) src(%arg8 : memref<128x128xf32, #tpu.memory_space<vmem>>) dst(%dma_wait3A_128 : memref<10112x128xf32, #tpu.memory_space<vmem_shared>>)
          tpu.yield
        }) : () -> ()
        %add3A_109 = arith.constant 3 : i32
        %add3A_110 = arith.addi %add3A_91, %add3A_109 : i32
        %lt3A_111 = arith.constant 40 : i32
        %lt3A_112 = arith.cmpi slt, %add3A_110, %lt3A_111 : i32
        %convert_element_type3A_113 = arith.extui %lt3A_112 : i1 to i32
        %cond3A_114 = arith.constant 0 : i32
        %cond3A_115 = arith.cmpi ne, %convert_element_type3A_113, %cond3A_114 : i32
        scf.if %cond3A_115 {
          %add3A_116 = arith.constant 3 : i32
          %add3A_117 = arith.addi %add3A_91, %add3A_116 : i32
          %dma_start3A_118 = arith.constant 0 : i32
          %dma_start3A_119 = tpu.memref_slice %arg6[%add3A_117, %dma_start3A_118] : memref<40x128xi32, #tpu.memory_space<vmem>> -> memref<1x128xi32, #tpu.memory_space<vmem>>
          %dma_start3A_120 = tpu.memref_squeeze %dma_start3A_119 : memref<1x128xi32, #tpu.memory_space<vmem>> -> memref<128xi32, #tpu.memory_space<vmem>>
          %dma_start3A_121 = arith.constant 0 : i32
          %dma_start3A_122 = arith.constant 0 : i32
          %dma_start3A_123 = tpu.memref_slice %arg3[%dma_start3A_121, %dma_start3A_122] : memref<10000x128xf32, #tpu.memory_space<hbm>> -> memref<10000x128xf32, #tpu.memory_space<hbm>>
          tpu.enqueue_indirect_dma source(%dma_start3A_123 : memref<10000x128xf32, #tpu.memory_space<hbm>>) target(%arg8 : memref<128x128xf32, #tpu.memory_space<vmem>>) offsets(%dma_start3A_120 : memref<128xi32, #tpu.memory_space<vmem>>) semaphore(%arg11 : memref<!tpu.dma_semaphore, #tpu.memory_space<semaphore_mem>>)
        } else {
        }
      }
      %scan3A_86 = arith.constant 20 : i32
    }
    %barrier3A_49 = arith.constant 0 : index
    tpu.barrier barrier_id(%barrier3A_49)
    %mul3A_50 = arith.constant 632 : i32
    %mul3A_51 = arith.muli %arg1, %mul3A_50 : i32
    %mul3A_52 = arith.constant 632 : i32
    %mul3A_53 = arith.muli %arg1, %mul3A_52 : i32
    "tpu.region"() ({
      %run_scoped3A = tpu.sem_alloc : memref<!tpu.dma_semaphore, #tpu.memory_space<semaphore_mem>>
      %dma_start3A = arith.constant 0 : i32
      %dma_start3A_54 = tpu.memref_slice %arg4[%arg0, %mul3A_53, %dma_start3A] : memref<2x10112x128xf32, #tpu.memory_space<hbm>> -> memref<1x632x128xf32, #tpu.memory_space<hbm>>
      %dma_start3A_55 = tpu.memref_squeeze %dma_start3A_54 : memref<1x632x128xf32, #tpu.memory_space<hbm>> -> memref<632x128xf32, #tpu.memory_space<hbm>>
      %dma_start3A_56 = arith.constant 0 : i32
      %dma_start3A_57 = tpu.memref_slice %arg9[%mul3A_51, %dma_start3A_56] : memref<10112x128xf32, #tpu.memory_space<vmem_shared>> -> memref<632x128xf32, #tpu.memory_space<vmem_shared>>
      tpu.enqueue_dma source(%dma_start3A_57 : memref<632x128xf32, #tpu.memory_space<vmem_shared>>) target(%dma_start3A_55 : memref<632x128xf32, #tpu.memory_space<hbm>>) target_semaphore(%run_scoped3A : memref<!tpu.dma_semaphore, #tpu.memory_space<semaphore_mem>>)
      %dma_wait3A = arith.constant 0 : i32
      %dma_wait3A_58 = tpu.memref_slice %arg4[%arg0, %mul3A_53, %dma_wait3A] : memref<2x10112x128xf32, #tpu.memory_space<hbm>> -> memref<1x632x128xf32, #tpu.memory_space<hbm>>
      %dma_wait3A_59 = tpu.memref_squeeze %dma_wait3A_58 : memref<1x632x128xf32, #tpu.memory_space<hbm>> -> memref<632x128xf32, #tpu.memory_space<hbm>>
      %dma_wait3A_60 = arith.constant 0 : i32
      %dma_wait3A_61 = tpu.memref_slice %arg9[%mul3A_51, %dma_wait3A_60] : memref<10112x128xf32, #tpu.memory_space<vmem_shared>> -> memref<632x128xf32, #tpu.memory_space<vmem_shared>>
      tpu.wait_dma2 semaphore(%run_scoped3A : memref<!tpu.dma_semaphore, #tpu.memory_space<semaphore_mem>>) src(%dma_wait3A_61 : memref<632x128xf32, #tpu.memory_space<vmem_shared>>) dst(%dma_wait3A_59 : memref<632x128xf32, #tpu.memory_space<hbm>>)
      tpu.yield
    }) : () -> ()
    return
  }
}

module attributes {stable_mosaic.version = 14 : i64} {
  func.func @_tc_mlp_body(%arg0: memref<10000x128xf32, #tpu.memory_space<vmem>>, %arg1: memref<2x10112x128xf32, #tpu.memory_space<vmem>>, %arg2: memref<128x128xf32, #tpu.memory_space<vmem>>, %arg3: memref<1x128xf32, #tpu.memory_space<vmem>>, %arg4: memref<128x128xf32, #tpu.memory_space<vmem>>, %arg5: memref<1x128xf32, #tpu.memory_space<vmem>>, %arg6: memref<1x128xf32, #tpu.memory_space<vmem>>, %arg7: memref<1x128xf32, #tpu.memory_space<vmem>>, %arg8: memref<10000x128xf32, #tpu.memory_space<vmem>>) attributes {dimension_semantics = [], scalar_prefetch = 0 : i64, scratch_operands = 0 : i64, tpu.core_type = #tpu.core_type<tc>} {
    %get3A = arith.constant 0 : index
    %get3A_0 = arith.constant 0 : index
    %get3A_1 = vector.load %arg0[%get3A, %get3A_0] : memref<10000x128xf32, #tpu.memory_space<vmem>>, vector<10000x128xf32>
    %get3A_2 = arith.constant 0 : index
    %get3A_3 = arith.constant 0 : index
    %get3A_4 = arith.constant 0 : index
    %get3A_5 = vector.load %arg1[%get3A_2, %get3A_3, %get3A_4] : memref<2x10112x128xf32, #tpu.memory_space<vmem>>, vector<1x10000x128xf32>
    %get3A_6 = vector.shape_cast %get3A_5 : vector<1x10000x128xf32> to vector<10000x128xf32>
    %add3A = arith.addf %get3A_1, %get3A_6 : vector<10000x128xf32>
    %get3A_7 = arith.constant 1 : index
    %get3A_8 = arith.constant 0 : index
    %get3A_9 = arith.constant 0 : index
    %get3A_10 = vector.load %arg1[%get3A_7, %get3A_8, %get3A_9] : memref<2x10112x128xf32, #tpu.memory_space<vmem>>, vector<1x10000x128xf32>
    %get3A_11 = vector.shape_cast %get3A_10 : vector<1x10000x128xf32> to vector<10000x128xf32>
    %add3A_12 = arith.addf %add3A, %get3A_11 : vector<10000x128xf32>
    %get3A_13 = arith.constant 0 : index
    %get3A_14 = arith.constant 0 : index
    %get3A_15 = vector.load %arg2[%get3A_13, %get3A_14] : memref<128x128xf32, #tpu.memory_space<vmem>>, vector<128x128xf32>
    %dot_general3A = arith.constant dense<0.000000e+00> : vector<10000x128xf32>
    %dot_general3A_16 = tpu.matmul %add3A_12, %get3A_15, %dot_general3A {dimension_numbers = #tpu.dot_dimension_numbers<[1], [0], [0], [1], [0, 0, 1, 1], [], []>, transpose_lhs_hint = false} : vector<10000x128xf32>, vector<128x128xf32>, vector<10000x128xf32> -> vector<10000x128xf32>
    %get3A_17 = arith.constant 0 : index
    %get3A_18 = arith.constant 0 : index
    %get3A_19 = vector.load %arg3[%get3A_17, %get3A_18] : memref<1x128xf32, #tpu.memory_space<vmem>>, vector<1x128xf32>
    %add3A_20 = vector.broadcast %get3A_19 : vector<1x128xf32> to vector<10000x128xf32>
    %add3A_21 = arith.addf %dot_general3A_16, %add3A_20 : vector<10000x128xf32>
    %max3A = arith.constant 0.000000e+00 : f32
    %max3A_22 = vector.broadcast %max3A : f32 to vector<10000x128xf32>
    %max3A_23 = arith.maximumf %add3A_21, %max3A_22 : vector<10000x128xf32>
    %get3A_24 = arith.constant 0 : index
    %get3A_25 = arith.constant 0 : index
    %get3A_26 = vector.load %arg4[%get3A_24, %get3A_25] : memref<128x128xf32, #tpu.memory_space<vmem>>, vector<128x128xf32>
    %dot_general3A_27 = arith.constant dense<0.000000e+00> : vector<10000x128xf32>
    %dot_general3A_28 = tpu.matmul %max3A_23, %get3A_26, %dot_general3A_27 {dimension_numbers = #tpu.dot_dimension_numbers<[1], [0], [0], [1], [0, 0, 1, 1], [], []>, transpose_lhs_hint = false} : vector<10000x128xf32>, vector<128x128xf32>, vector<10000x128xf32> -> vector<10000x128xf32>
    %get3A_29 = arith.constant 0 : index
    %get3A_30 = arith.constant 0 : index
    %get3A_31 = vector.load %arg5[%get3A_29, %get3A_30] : memref<1x128xf32, #tpu.memory_space<vmem>>, vector<1x128xf32>
    %add3A_32 = vector.broadcast %get3A_31 : vector<1x128xf32> to vector<10000x128xf32>
    %add3A_33 = arith.addf %dot_general3A_28, %add3A_32 : vector<10000x128xf32>
    %max3A_34 = arith.constant 0.000000e+00 : f32
    %max3A_35 = vector.broadcast %max3A_34 : f32 to vector<10000x128xf32>
    %max3A_36 = arith.maximumf %add3A_33, %max3A_35 : vector<10000x128xf32>
    %reduce_sum3A = arith.constant dense<0.000000e+00> : vector<128xf32>
    %reduce_sum3A_37 = vector.multi_reduction <add>, %max3A_36, %reduce_sum3A [0] : vector<10000x128xf32> to vector<128xf32>
    %broadcast_in_dim3A = vector.shape_cast %reduce_sum3A_37 : vector<128xf32> to vector<1x128xf32>
    %div3A = arith.constant 1.000000e+04 : f32
    %div3A_38 = vector.broadcast %div3A : f32 to vector<1x128xf32>
    %div3A_39 = arith.divf %broadcast_in_dim3A, %div3A_38 : vector<1x128xf32>
    %sub3A = vector.broadcast %div3A_39 : vector<1x128xf32> to vector<10000x128xf32>
    %sub3A_40 = arith.subf %max3A_36, %sub3A : vector<10000x128xf32>
    %square3A = arith.mulf %sub3A_40, %sub3A_40 : vector<10000x128xf32>
    %reduce_sum3A_41 = arith.constant dense<0.000000e+00> : vector<128xf32>
    %reduce_sum3A_42 = vector.multi_reduction <add>, %square3A, %reduce_sum3A_41 [0] : vector<10000x128xf32> to vector<128xf32>
    %broadcast_in_dim3A_43 = vector.shape_cast %reduce_sum3A_42 : vector<128xf32> to vector<1x128xf32>
    %div3A_44 = arith.constant 1.000000e+04 : f32
    %div3A_45 = vector.broadcast %div3A_44 : f32 to vector<1x128xf32>
    %div3A_46 = arith.divf %broadcast_in_dim3A_43, %div3A_45 : vector<1x128xf32>
    %get3A_47 = arith.constant 0 : index
    %get3A_48 = arith.constant 0 : index
    %get3A_49 = vector.load %arg6[%get3A_47, %get3A_48] : memref<1x128xf32, #tpu.memory_space<vmem>>, vector<1x128xf32>
    %sub3A_50 = vector.broadcast %div3A_39 : vector<1x128xf32> to vector<10000x128xf32>
    %sub3A_51 = arith.subf %max3A_36, %sub3A_50 : vector<10000x128xf32>
    %mul3A = vector.broadcast %get3A_49 : vector<1x128xf32> to vector<10000x128xf32>
    %mul3A_52 = arith.mulf %mul3A, %sub3A_51 : vector<10000x128xf32>
    %add3A_53 = arith.constant 9.99999974E-6 : f32
    %add3A_54 = vector.broadcast %add3A_53 : f32 to vector<1x128xf32>
    %add3A_55 = arith.addf %div3A_46, %add3A_54 : vector<1x128xf32>
    %rsqrt3A = math.rsqrt %add3A_55 : vector<1x128xf32>
    %mul3A_56 = vector.broadcast %rsqrt3A : vector<1x128xf32> to vector<10000x128xf32>
    %mul3A_57 = arith.mulf %mul3A_52, %mul3A_56 : vector<10000x128xf32>
    %get3A_58 = arith.constant 0 : index
    %get3A_59 = arith.constant 0 : index
    %get3A_60 = vector.load %arg7[%get3A_58, %get3A_59] : memref<1x128xf32, #tpu.memory_space<vmem>>, vector<1x128xf32>
    %add3A_61 = vector.broadcast %get3A_60 : vector<1x128xf32> to vector<10000x128xf32>
    %add3A_62 = arith.addf %mul3A_57, %add3A_61 : vector<10000x128xf32>
    %swap3A = arith.constant 0 : index
    %swap3A_63 = arith.constant 0 : index
    %swap3A_64 = vector.load %arg8[%swap3A, %swap3A_63] : memref<10000x128xf32, #tpu.memory_space<vmem>>, vector<10000x128xf32>
    tpu.vector_store %arg8[%swap3A, %swap3A_63], %add3A_62 {strides = array<i32>} : memref<10000x128xf32, #tpu.memory_space<vmem>>, vector<10000x128xf32>,
    return
  }
}

</mosaic_0001>

<sc_bundles>
// kernel: kernel.4.cloned.1.call-start
scs
__scs_entry_jumppad:
0x0: {  	(pc) =	sbr.rel $0x88, $3  }
0x1: {  	(tag) =	ssettag $0x0;
	lr =	simm.s32 $0x1  }
0x2: {  	[smem:$0x3F99] =	sst lr;
	_ =	strace $0xD0000000  }
0x3: {  	_ = 	snop  }
0x4: {  	_ = 	snop  }
0x5: {  	_ = 	snop  }
0x6: {  	_ = 	snop  }
0x7: {  	_ = 	snop  }
__scs_overlays_trampoline_lowered:
0x8: {  	[smem:$0x3FA8] =	sst s0  }
0x9: {  	[smem:$0x3FA9] =	sst s1  }
0xa: {  	[smem:$0x3FAA] =	sst s2  }
0xb: {  	[smem:$0x3FAB] =	sst s3  }
0xc: {  	[smem:$0x3FAC] =	sst s4  }
0xd: {  	[smem:$0x3FAD] =	sst s5  }
0xe: {  	[smem:$0x3FAE] =	sst s6  }
0xf: {  	[smem:$0x3FAF] =	sst s7  }
0x10: {  	[smem:$0x3FB0] =	sst s8  }
0x11: {  	[smem:$0x3FB1] =	sst s9;
	s0 =	simm.s32 @!p0 $0x0  }
0x12: {  	s1 =	sld [smem:$0x3F97];
	s0 =	simm.s32 @p0 $0x1  }
0x13: {  	[smem:$0x3FB2] =	sst s0;
	s0 =	simm.s32 @!p1 $0x0  }
0x14: {  	s2 =	sld [smem:$0x3F96];
	s0 =	simm.s32 @p1 $0x1  }
0x15: {  	[smem:$0x3FB3] =	sst s0;
	s0 =	simm.s32 @!p2 $0x0  }
0x16: {  	s3 =	sld [smem:$0x3FDB];
	s0 =	simm.s32 @p2 $0x1  }
0x17: {  	s4 =	simm.s32 $0x1BF5;
	[smem:$0x3FB5] =	sst s0  }
0x18: {  	s0 =	sld [smem:$0x3F98];
	_ =	swait.ge [sflag:s4], $0x0  }
0x19: {  	s7 =	sld [smem:$0x3F99]  }
0x1a: {  	s8 =	sadd.s32 $0xFFFFE003, lr  }
0x1b: {  	s9 =	sadd.s32 $0xFFFFFEF7, lr;
	s5 =	simm.s32 $0xFFFFFFFF;
	p2 =	slt.u32 s8, $0xFFFFF086  }
0x1c: {  	p1 =	slt.u32 s9, $0xF7A;
	s5 =	simm.s32 @!p2 $0x0  }
0x1d: {  	s5 =	simm.s32 @p1 $0x1;
	p0 =	seq.s32 s7, s2  }
0x1e: {  	s7 =	smul.u32 @!p0 $0xF7A, s2;
	p2 =	seq.s32 @!p0 s5, $0x0  }
0x1f: {  	s9 =	smul.u32 $0xF7A, s1;
	s8 =	simm.s32 @!p0 $0x1BF5;
	p2 =	por !p2, p0  }
0x20: {  	[sflag:s8] =	ssyncset.s32 @!p0 $0xFFFFF086;
	s6 =	sadd.s32 @!p0 s3, s7;
	s7 =	simm.s32 @!p0 $0x108  }
0x21: {  	s3 =	sadd.s32 s3, s9;
	s6 =	sadd.s32 @!p0 $0x88, s6;
	s7 =	simm.s32 @p2 $0x1082  }
0x22: {  	[simem:s7], [sflag:s8] =	dma.local @!p0 [hbm:s6], $0xF7A  }
0x23: {  	s9 =	sor.u32 $0xD0000000, s2;
	s6 =	simm.s32 $0x108;
	_ =	swait.ge @!p0 [sflag:s8], $0x0  }
0x24: {  	s3 =	sadd.s32 $0x88, s3;
	s6 =	simm.s32 @!p1 $0x1082;
	[sflag:s4] =	ssyncset.s32 $0xFFFFF086  }
0x25: {  	[simem:s6], [sflag:s4] =	dma.local [hbm:s3], $0xF7A  }
0x26: {  	[smem:$0x3F99] =	sst s1;
	(tag) =	ssettag s2;
	_ =	strace s9  }
0x27: {  	s1 =	sld [smem:$0x3FA9]  }
0x28: {  	s2 =	sld [smem:$0x3FAA]  }
0x29: {  	s4 =	sld [smem:$0x3FAC]  }
0x2a: {  	p0 =	seq.s32 s5, $0x0;
	s5 =	sld [smem:$0x3FAD]  }
0x2b: {  	s6 =	sld [smem:$0x3FAE]  }
0x2c: {  	s7 =	sld [smem:$0x3FAF]  }
0x2d: {  	s3 =	simm.s32 $0x108;
	s8 =	sld [smem:$0x3FB0]  }
0x2e: {  	s3 =	simm.s32 @!p0 $0x1082;
	s9 =	sld [smem:$0x3FB1]  }
0x2f: {  	lr =	sadd.s32 s0, s3;
	s0 =	sld [smem:$0x3FA8]  }
0x30: {  	s3 =	sld [smem:$0x3FAB]  }
0x31: {  	[smem:$0x3FB4] =	sst s10  }
0x32: {  	s10 =	sld [smem:$0x3FB2];
	_ =	sdelay $0x3  }
0x33: {  	p0 =	seq.s32 s10, $0x1;
	s10 =	sld [smem:$0x3FB4];
	_ =	sdelay $0x3  }
0x34: {  	[smem:$0x3FB4] =	sst s10  }
0x35: {  	s10 =	sld [smem:$0x3FB3];
	_ =	sdelay $0x3  }
0x36: {  	p1 =	seq.s32 s10, $0x1;
	s10 =	sld [smem:$0x3FB4];
	_ =	sdelay $0x3  }
0x37: {  	[smem:$0x3FB4] =	sst s10  }
0x38: {  	s10 =	sld [smem:$0x3FB5]  }
0x39: {  	_ = 	snop;
	(pc) =	sbr.ind lr, $3  }
0x3a: {  	_ = 	snop  }
0x3b: {  	_ = 	snop  }
0x3c: {  	p2 =	seq.s32 s10, $0x1;
	s10 =	sld [smem:$0x3FB4]  }
0x3d: {  	_ =	shalt  }
0x3e: {  	_ =	shalt  }
0x3f: {  	_ =	shalt  }
0x40: {  	_ =	shalt  }
0x41: {  	_ =	shalt  }
0x42: {  	_ =	shalt  }
0x43: {  	_ =	shalt  }
0x44: {  	_ =	shalt  }
0x45: {  	_ =	shalt  }
0x46: {  	_ =	shalt  }
0x47: {  	_ =	shalt  }
0x48: {  	_ =	shalt  }
0x49: {  	_ =	shalt  }
0x4a: {  	_ =	shalt  }
0x4b: {  	_ =	shalt  }
0x4c: {  	_ =	shalt  }
0x4d: {  	_ =	shalt  }
0x4e: {  	_ =	shalt  }
0x4f: {  	_ =	shalt  }
0x50: {  	_ =	shalt  }
0x51: {  	_ =	shalt  }
0x52: {  	_ =	shalt  }
0x53: {  	_ =	shalt  }
0x54: {  	_ =	shalt  }
0x55: {  	_ =	shalt  }
0x56: {  	_ =	shalt  }
0x57: {  	_ =	shalt  }
0x58: {  	_ =	shalt  }
0x59: {  	_ =	shalt  }
0x5a: {  	_ =	shalt  }
0x5b: {  	_ =	shalt  }
0x5c: {  	_ =	shalt  }
0x5d: {  	_ =	shalt  }
0x5e: {  	_ =	shalt  }
0x5f: {  	_ =	shalt  }
0x60: {  	_ =	shalt  }
0x61: {  	_ =	shalt  }
0x62: {  	_ =	shalt  }
0x63: {  	_ =	shalt  }
0x64: {  	_ =	shalt  }
0x65: {  	_ =	shalt  }
0x66: {  	_ =	shalt  }
0x67: {  	_ =	shalt  }
0x68: {  	_ =	shalt  }
0x69: {  	_ =	shalt  }
0x6a: {  	_ =	shalt  }
0x6b: {  	_ =	shalt  }
0x6c: {  	_ =	shalt  }
0x6d: {  	_ =	shalt  }
0x6e: {  	_ =	shalt  }
0x6f: {  	_ =	shalt  }
0x70: {  	_ =	shalt  }
0x71: {  	_ =	shalt  }
0x72: {  	_ =	shalt  }
0x73: {  	_ =	shalt  }
0x74: {  	_ =	shalt  }
0x75: {  	_ =	shalt  }
0x76: {  	_ =	shalt  }
0x77: {  	_ =	shalt  }
0x78: {  	_ =	shalt  }
0x79: {  	_ =	shalt  }
0x7a: {  	_ =	shalt  }
0x7b: {  	_ =	shalt  }
0x7c: {  	_ =	shalt  }
0x7d: {  	_ =	shalt  }
0x7e: {  	_ =	shalt  }
0x7f: {  	_ =	shalt  }
0x80: {  	_ =	shalt  }
0x81: {  	_ =	shalt  }
0x82: {  	_ =	shalt  }
0x83: {  	_ =	shalt  }
0x84: {  	_ =	shalt  }
0x85: {  	_ =	shalt  }
0x86: {  	_ =	shalt  }
0x87: {  	_ =	shalt  }
.Lfunc_end0:
.L_simem_size_0:
called_computation_lowered:
.L_overlay_start_0:
0x88: {  	s2 =	sld [smem:$0x3FD9]  }
0x89: {  	s3 =	sld [smem:$0x3FFE];
	_ =	sdelay $0x1  }
0x8a: {  	s1 =	srdreg.scid  }
0x8b: {  	s0 =	sand.u32 $0x1, s1  }
0x8c: {  	s17 =	sshll.u32 s0, $0xA;
	s2 =	sadd.s32 s3, s2  }
0x8d: {  	s2 =	sadd.s32 s2, s17  }
0x8e: {  	[smem:$0x3FC0] =	sst s2  }
0x8f: {  	_ = 	snop  }
0x90: {  	s2 =	sld [smem:$0x3FC9]  }
0x91: {  	s18 =	sld [smem:$0x3FD0];
	(tm) =	ssettm $0x1  }
0x92: {  	s4 =	sld [smem:$0x3FFB];
	_ =	sdelay $0x3  }
0x93: {  	_ =	strace s4  }
0x94: {  	s4 =	sld [smem:$0x3FFC];
	_ =	sdelay $0x3  }
0x95: {  	_ =	strace s4  }
0x96: {  	s4 =	sld [smem:$0x3FFD];
	_ =	sdelay $0x3  }
0x97: {  	_ =	strace s4  }
0x98: {  	_ =	strace $0x8FFFFFFF  }
0x99: {  	s19 =	sld [smem:$0x3FDB];
	_ =	sdelay $0x1  }
0x9a: {  	s5 =	simm.s32 $_scs_section_size  }
0x9b: {  	s6 =	simm.s32 $_size__tile_overlayer_lowered;
	s7 =	simm.s32 $_tile_overlayer_lowered  }
0x9c: {  	s22 =	simm.s32 $0x1BFF;
	s21 =	sshll.u32 s7, $0x1;
	s4 =	sadd.s32 s5, s19  }
0x9d: {  	s8 =	simm.s32 $0x0;
	s20 =	sshll.u32 s6, $0x1;
	s6 =	sadd.s32 s21, s4  }
0x9e: {  	[timem:s8], [sflag:s22] =	dma.local [hbm:s6], s20  }
0x9f: {  	_ =	swait.ge [sflag:s22], s20  }
0xa0: {  	s5 =	ssub.s32 $0x0, s20;
	[sflag:s22] =	ssyncset.done $0x0  }
0xa1: {  	[sflag:s22] =	ssyncadd.s32 s5;
	_ =	sdelay $0x1  }
0xa2: {  	s23 =	simm.s32 $0x1B8B  }
0xa3: {  	_ =	swait.ge [sflag:s23], $0x1  }
0xa4: {  	[sflag:s23] =	ssyncset.done $0x0  }
0xa5: {  	s25 =	simm.s32 $0x1B8E;
	s24 =	sld [smem:$0x3FFE];
	[sflag:s23] =	ssyncadd.s32 $0xFFFFFFFF  }
0xa6: {  	s26 =	simm.s32 $execute0_lowered;
	[smem:$0x3FD2] =	sst s25  }
0xa7: {  	s6 =	sshll.u32 s26, $0x1;
	_ =	strace $0x80000046;
	[dreg:$0x1] =	wrdreg $0xFFFFFFFF  }
0xa8: {  	s28 =	simm.s32 $_size_execute0_lowered;
	s4 =	sadd.s32 s4, s6;
	[dreg:$0x0] =	wrdreg $0x0  }
0xa9: {  	s6 =	sshll.u32 s28, $0x1;
	[dreg:$0x2] =	wrdreg s4  }
0xaa: {  	[dreg:$0x3] =	wrdreg s6  }
0xab: {  	[dreg:$0x4] =	wrdreg $0xC0  }
0xac: {  	_ =	task [dreg:s8], $0x5FFFF  }
0xad: {  	[dreg:$0x1] =	wrdreg $0xFFFFFFFF  }
0xae: {  	[dreg:$0x0] =	wrdreg $0x60  }
0xaf: {  	[dreg:$0x2] =	wrdreg s18  }
0xb0: {  	[dreg:$0x3] =	wrdreg s2  }
0xb1: {  	[dreg:$0x4] =	wrdreg s24  }
0xb2: {  	[dreg:$0x5] =	wrdreg $0xA8000  }
0xb3: {  	[dreg:$0x6] =	wrdreg $0x9  }
0xb4: {  	_ =	task.clear_ibuf [dreg:s8], $0x7FFFF;
	_ =	strace $0x90000046  }
0xb5: {  	s29 =	simm.s32 $0x9;
	_ =	strace $0x80000048  }
0xb6: {  	_ =	swait.ge [sflag:s29], $0x1  }
0xb7: {  	[sflag:s29] =	ssyncadd.s32 $0xFFFFFFFF  }
0xb8: {  	_ =	strace $0x90000048  }
0xb9: {  	_ =	sfence  }
0xba: {  	s30 =	sld [smem:$0x0];
	_ =	sdelay $0x2  }
0xbb: {  	s31 =	sshll.u32 s1, $0xD;
	s1 =	sshrl.u32 s1, $0x2  }
0xbc: {  	s3 =	sand.u32 $0x4000, s31;
	s1 =	sadd.s32 s1, s30  }
0xbd: {  	s0 =	sor.u32 s3, s0;
	s1 =	sshll.u32 s1, $0x11  }
0xbe: {  	s0 =	sor.u32 s1, s0  }
0xbf: {  	s0 =	sadd.s32 $0x8F2B, s0  }
0xc0: {  	[sflag:s0] =	ssyncadd.remote.s32 $0x1  }
0xc1: {  	_ =	sfence.sel $0xFFFF  }
0xc2: {  	[dreg:$0x0] =	wrdreg $0xFFFFFFFF;
	(pc) =	sbr.abs _section_cstart, $3  }
0xc3: {  	[dreg:$0x1] =	wrdreg $0xFFFFFFFF  }
0xc4: {  	_ =	task.clear_ibuf [dreg:s8], $0x2FFFF;
	_ =	strace $0x9FFFFFFF  }
0xc5: {  	(tm) =	ssettm $0x7FFFFFFF  }
tec
execute0_lowered:
.L_overlay_start_1:
0x0: {  	(tag) =	ssettag $0x1  }
0x1: {  	s1 =	rddreg [dreg:$0x0]  }
0x2: {  	s2 =	rddreg [dreg:$0x1]  }
0x3: {  	s0 =	rddreg [dreg:$0x2]  }
0x4: {  	s3 =	rddreg [dreg:$0x3];
	s4 =	srdreg.scid;
	s5 =	simm.s32 $0x0  }
0x5: {  	s15 =	simm.s32 $0x2800;
	s16 =	simm.s32 $0x3;
	s17 =	simm.s32 $0x1400  }
0x6: {  	s18 =	simm.s32 $0x80;
	s19 =	simm.s32 $0x1480;
	s20 =	simm.s32 $0x6800  }
0x7: {  	s21 =	simm.s32 $0x1;
	s22 =	simm.s32 $0x2;
	s6 =	sand.u32 $0x1, s4  }
0x8: {  	s23 =	simm.s32 $0x1300;
	s4 =	stileid.u32;
	s7 =	smul.u32 $0x13C000, s6  }
0x9: {  	s24 =	simm.s32 $0x1380;
	[smem:$0x7FF] =	sst s5;
	s8 =	smul.u32 $0x13C00, s4  }
0xa: {  	s12 =	sadd.s32 $0xA000, s1;
	s30 =	ssub.s32 $0x2, s6;
	s9 =	smul.u32 $0x4F000, s4  }
0xb: {  	_ =	strace $0x80000047;
	s11 =	smul.u32 $0x50, s4;
	s10 =	sshrl.u32 s30, $0x1  }
0xc: {  	p0 =	seq.s32 s6, $0x0;
	s7 =	sadd.s32 s8, s7;
	s14 =	ssub.s32 s30, s10  }
0xd: {  	s31 =	sshrl.u32 s9, $0x2;
	s6 =	sadd.s32 $0x500, s11;
	s7 =	sshrl.u32 s7, $0x3  }
0xe: {  	s6 =	smov.u32 @p0 s11;
	s0 =	sadd.s32 s7, s0;
	s7 =	sadd.s32 s31, s3  }
0xf: {  	s14 =	smax.u32 s14, $0x1;
	s8 =	sadd.s32 $0x4000, s7;
	s9 =	sadd.s32 $0x8000, s7  }
0x10: {  	v0 =	vimm.f32 $0.0e+00;
	v1 =	vlaneseq.u32;
	s10 =	sadd.s32 $0xC000, s7;
	s11 =	sadd.s32 $0x10000, s7;
	s13 =	sadd.s32 $0x1C00, s0  }
.LBB2_1:
0x11: {  	s25 =	simm.s32 $0x0;
	s26 =	simm.s32 $0x200  }
.LBB2_2:
0x12: {  	p0 =	sne.s32 s26, $0xFE00;
	[tilespmem:s25+$0x2870] =	vst v0  }
0x13: {  	[tilespmem:s25+$0x2800] =	vst v0  }
0x14: {  	[tilespmem:s25+$0x2810] =	vst v0  }
.Ltmp0:
0x15: {  	[tilespmem:s25+$0x2820] =	vst v0;
	(pc) =	sbr.rel @p0 .LBB2_2-.Ltmp0, $4  }
0x16: {  	[tilespmem:s25+$0x2830] =	vst v0  }
0x17: {  	[tilespmem:s25+$0x2840] =	vst v0  }
0x18: {  	[tilespmem:s25+$0x2850] =	vst v0  }
0x19: {  	[tilespmem:s25+$0x2860] =	vst v0;
	s25 =	sshra.s32 s26, $0x2;
	s26 =	sadd.s32 $0x200, s26  }
0x1a: {  	[tilespmem:s25+$0x2870] =	vst v0  }
0x1b: {  	[tilespmem:s25+$0x2800] =	vst v0  }
0x1c: {  	[tilespmem:s25+$0x2810] =	vst v0  }
0x1d: {  	[tilespmem:s25+$0x2820] =	vst v0  }
0x1e: {  	[tilespmem:s25+$0x2830] =	vst v0  }
0x1f: {  	[tilespmem:s25+$0x2840] =	vst v0  }
0x20: {  	[tilespmem:s25+$0x2850] =	vst v0  }
0x21: {  	[tilespmem:s25+$0x2860] =	vst v0  }
0x22: {  	[spmem:s7] =	stream.linear.scatter [tilespmem:s15], [sflag:$0x3], $0x4000, $0x38;
	[tilespmem:$0x1E400] =	vst v63  }
0x23: {  	_ =	swait.ge [sflag:s16], $0x4000  }
0x24: {  	[sflag:s16] =	ssyncset.done $0x0  }
0x25: {  	[sflag:s16] =	ssyncadd.s32 $0xFFFFC000  }
0x26: {  	[spmem:s8] =	stream.linear.scatter [tilespmem:s15], [sflag:$0x3], $0x4000, $0x38;
	[tilespmem:$0x1E400] =	vst v63  }
0x27: {  	_ =	swait.ge [sflag:s16], $0x4000  }
0x28: {  	[sflag:s16] =	ssyncset.done $0x0  }
0x29: {  	[sflag:s16] =	ssyncadd.s32 $0xFFFFC000  }
0x2a: {  	[spmem:s9] =	stream.linear.scatter [tilespmem:s15], [sflag:$0x3], $0x4000, $0x38;
	[tilespmem:$0x1E400] =	vst v63  }
0x2b: {  	_ =	swait.ge [sflag:s16], $0x4000  }
0x2c: {  	[sflag:s16] =	ssyncset.done $0x0  }
0x2d: {  	[sflag:s16] =	ssyncadd.s32 $0xFFFFC000  }
0x2e: {  	[spmem:s10] =	stream.linear.scatter [tilespmem:s15], [sflag:$0x3], $0x4000, $0x38;
	[tilespmem:$0x1E400] =	vst v63  }
0x2f: {  	_ =	swait.ge [sflag:s16], $0x4000  }
0x30: {  	[sflag:s16] =	ssyncset.done $0x0  }
0x31: {  	[sflag:s16] =	ssyncadd.s32 $0xFFFFC000  }
0x32: {  	[spmem:s11] =	stream.linear.scatter [tilespmem:s15], [sflag:$0x3], $0x3C00, $0x38;
	[tilespmem:$0x1E400] =	vst v63  }
0x33: {  	_ =	swait.ge [sflag:s16], $0x3C00  }
0x34: {  	[sflag:s16] =	ssyncset.done $0x0  }
0x35: {  	s25 =	simm.s32 $0x0;
	[sflag:s16] =	ssyncadd.s32 $0xFFFFC400  }
0x36: {  	p1 =	por $0x1, $0x1;
	s0 =	simm.s32 $0x0;
	[bflag:$0x0] =	sbarrier.arrive $0xFFFF  }
.LBB2_4:
0x37: {  	s0 =	sadd.s32 s6, s0  }
0x38: {  	s0 =	sshll.u32 s0, $0x4  }
0x39: {  	s26 =	sadd.s32 s1, s0  }
0x3a: {  	[tilespmem:s25], [sflag:$0x3] =	stream.linear.gather [hbm4b:s26+s25], $0x1400, $0x38;
	[tilespmem:$0x1E400] =	vst v63  }
0x3b: {  	_ =	swait.ge [sflag:s16], $0x1400  }
0x3c: {  	[sflag:s16] =	ssyncset.done $0x0  }
0x3d: {  	s0 =	sadd.s32 s0, s12;
	[sflag:s16] =	ssyncadd.s32 $0xFFFFEC00  }
0x3e: {  	[tilespmem:s17], [sflag:$0x3] =	stream.linear.gather [hbm4b:s0+s25], $0x1400, $0x38;
	[tilespmem:$0x1E400] =	vst v63  }
0x3f: {  	s26 =	smul.u32 $0xAB, s25;
	_ =	swait.ge [sflag:s16], $0x1400  }
0x40: {  	[sflag:s16] =	ssyncset.done $0x0  }
0x41: {  	s28 =	simm.s32 $0x40;
	s0 =	sshrl.u32 s26, $0xA;
	[sflag:s16] =	ssyncadd.s32 $0xFFFFEC00  }
0x42: {  	s26 =	simm.s32 $0x1440;
	s0 =	smul.u32 $0x6, s0;
	v3 =	vld [tilespmem:s28+$0xFFFFFFC0]  }
0x43: {  	v4 =	vld [tilespmem:s26+$0xFFFFFFC0]  }
0x44: {  	s0 =	ssub.s32 $0x0, s0  }
0x45: {  	s0 =	sshll.u32 s0, $0x4  }
0x46: {  	s0 =	sand.u32 $0xF0, s0  }
0x47: {  	s0 =	sadd.s32 $0x2710, s0  }
0x48: {  	v2 =	vor.u32 s0, v1;
	vm0 =	veq.s32 v3, v4  }
0x49: {  	v3 =	vsel vm0, v2, v3  }
0x4a: {  	[tilespmem:s28+$0xFFFFFFC0] =	vst v3;
	v3 =	vld [tilespmem:s28+$0xFFFFFFD0]  }
0x4b: {  	v4 =	vld [tilespmem:s26+$0xFFFFFFD0];
	_ =	sdelay $0x4  }
0x4c: {  	vm10 =	veq.s32 v3, v4  }
0x4d: {  	v3 =	vsel vm10, v2, v3  }
0x4e: {  	[tilespmem:s28+$0xFFFFFFD0] =	vst v3;
	v3 =	vld [tilespmem:s28+$0xFFFFFFE0]  }
0x4f: {  	v4 =	vld [tilespmem:s26+$0xFFFFFFE0];
	_ =	sdelay $0x4  }
0x50: {  	vm11 =	veq.s32 v3, v4  }
0x51: {  	v3 =	vsel vm11, v2, v3  }
0x52: {  	[tilespmem:s28+$0xFFFFFFE0] =	vst v3;
	v3 =	vld [tilespmem:s28+$0xFFFFFFF0]  }
0x53: {  	v4 =	vld [tilespmem:s26+$0xFFFFFFF0];
	_ =	sdelay $0x4  }
0x54: {  	vm12 =	veq.s32 v3, v4  }
0x55: {  	v3 =	vsel vm12, v2, v3  }
0x56: {  	[tilespmem:s28+$0xFFFFFFF0] =	vst v3;
	v3 =	vld [tilespmem:s28+$0x0]  }
0x57: {  	v4 =	vld [tilespmem:s26+$0x0];
	_ =	sdelay $0x4  }
0x58: {  	vm13 =	veq.s32 v3, v4  }
0x59: {  	v3 =	vsel vm13, v2, v3  }
0x5a: {  	[tilespmem:s28+$0x0] =	vst v3;
	v3 =	vld [tilespmem:s28+$0x10]  }
0x5b: {  	v4 =	vld [tilespmem:s26+$0x10];
	_ =	sdelay $0x4  }
0x5c: {  	vm14 =	veq.s32 v3, v4  }
0x5d: {  	v3 =	vsel vm14, v2, v3  }
0x5e: {  	[tilespmem:s28+$0x10] =	vst v3;
	v3 =	vld [tilespmem:s28+$0x20]  }
0x5f: {  	v4 =	vld [tilespmem:s26+$0x20];
	_ =	sdelay $0x4  }
0x60: {  	vm15 =	veq.s32 v3, v4  }
0x61: {  	v3 =	vsel vm15, v2, v3  }
0x62: {  	[tilespmem:s28+$0x20] =	vst v3;
	v3 =	vld [tilespmem:s28+$0x30]  }
0x63: {  	v4 =	vld [tilespmem:s26+$0x30];
	_ =	sdelay $0x2  }
0x64: {  	s29 =	simm.s32 $0x1;
	p0 =	por p1, p1  }
0x65: {  	s31 =	simm.s32 $0x2;
	s30 =	simm.s32 $0x40;
	s0 =	smul.u32 $0xAB, s29  }
.LBB2_5:
0x66: {  	p1 =	sne.s32 s31, $0x27;
	vm0 =	veq.s32 v3, v4  }
0x67: {  	s28 =	sadd.s32 $0x80, s28;
	s0 =	sshrl.u32 s0, $0xA;
	v2 =	vsel vm0, v2, v3  }
0x68: {  	s26 =	sadd.s32 $0x80, s26;
	v3 =	vld [tilespmem:s28+$0xFFFFFFC0];
	s0 =	smul.u32 $0x6, s0;
	[tilespmem:s30+$0x30] =	vst v2;
	s30 =	smov.u32 s28  }
0x69: {  	v4 =	vld [tilespmem:s26+$0xFFFFFFC0]  }
0x6a: {  	s0 =	ssub.s32 s29, s0;
	s29 =	smov.u32 s31  }
0x6b: {  	s0 =	sshll.u32 s0, $0x4  }
0x6c: {  	s0 =	sand.u32 $0xF0, s0  }
0x6d: {  	s0 =	sadd.s32 $0x2710, s0  }
0x6e: {  	v2 =	vor.u32 s0, v1;
	vm0 =	veq.s32 v3, v4  }
0x6f: {  	v3 =	vsel vm0, v2, v3  }
0x70: {  	[tilespmem:s28+$0xFFFFFFC0] =	vst v3;
	v3 =	vld [tilespmem:s28+$0xFFFFFFD0]  }
0x71: {  	v4 =	vld [tilespmem:s26+$0xFFFFFFD0];
	_ =	sdelay $0x4  }
0x72: {  	vm0 =	veq.s32 v3, v4  }
0x73: {  	v3 =	vsel vm0, v2, v3  }
0x74: {  	[tilespmem:s28+$0xFFFFFFD0] =	vst v3;
	v3 =	vld [tilespmem:s28+$0xFFFFFFE0]  }
0x75: {  	v4 =	vld [tilespmem:s26+$0xFFFFFFE0];
	_ =	sdelay $0x4  }
0x76: {  	vm0 =	veq.s32 v3, v4  }
0x77: {  	v3 =	vsel vm0, v2, v3  }
0x78: {  	[tilespmem:s28+$0xFFFFFFE0] =	vst v3;
	v3 =	vld [tilespmem:s28+$0xFFFFFFF0]  }
0x79: {  	v4 =	vld [tilespmem:s26+$0xFFFFFFF0];
	_ =	sdelay $0x4  }
0x7a: {  	vm0 =	veq.s32 v3, v4  }
0x7b: {  	v3 =	vsel vm0, v2, v3  }
0x7c: {  	[tilespmem:s28+$0xFFFFFFF0] =	vst v3;
	v3 =	vld [tilespmem:s28+$0x0]  }
0x7d: {  	v4 =	vld [tilespmem:s26+$0x0];
	_ =	sdelay $0x4  }
0x7e: {  	vm0 =	veq.s32 v3, v4  }
0x7f: {  	v3 =	vsel vm0, v2, v3  }
0x80: {  	[tilespmem:s28+$0x0] =	vst v3;
	v3 =	vld [tilespmem:s28+$0x10]  }
0x81: {  	v4 =	vld [tilespmem:s26+$0x10];
	_ =	sdelay $0x4  }
0x82: {  	vm0 =	veq.s32 v3, v4  }
0x83: {  	v3 =	vsel vm0, v2, v3  }
0x84: {  	[tilespmem:s28+$0x10] =	vst v3;
	v3 =	vld [tilespmem:s28+$0x20]  }
0x85: {  	v4 =	vld [tilespmem:s26+$0x20];
	_ =	sdelay $0x4  }
0x86: {  	vm0 =	veq.s32 v3, v4  }
0x87: {  	v3 =	vsel vm0, v2, v3  }
0x88: {  	[tilespmem:s28+$0x20] =	vst v3;
	v3 =	vld [tilespmem:s28+$0x30]  }
.Ltmp1:
0x89: {  	v4 =	vld [tilespmem:s26+$0x30];
	(pc) =	sbr.rel @p1 .LBB2_5-.Ltmp1, $2  }
0x8a: {  	_ =	sdelay $0x2  }
0x8b: {  	s31 =	sadd.s32 $0x1, s31;
	s0 =	smul.u32 $0xAB, s29  }
0x8c: {  	vm0 =	veq.s32 v3, v4  }
0x8d: {  	s28 =	sadd.s32 $0x80, s28;
	s0 =	sshrl.u32 s0, $0xA;
	v2 =	vsel vm0, v2, v3  }
0x8e: {  	s26 =	sadd.s32 $0x80, s26;
	v3 =	vld [tilespmem:s28+$0xFFFFFFC0];
	s0 =	smul.u32 $0x6, s0;
	[tilespmem:s30+$0x30] =	vst v2  }
0x8f: {  	v2 =	vld [tilespmem:s26+$0xFFFFFFC0]  }
0x90: {  	s0 =	ssub.s32 s29, s0  }
0x91: {  	s0 =	sshll.u32 s0, $0x4  }
0x92: {  	s0 =	sand.u32 $0xF0, s0  }
0x93: {  	s0 =	sadd.s32 $0x2710, s0  }
0x94: {  	v63 =	vor.u32 s0, v1;
	vm8 =	veq.s32 v3, v2  }
0x95: {  	v2 =	vsel vm8, v63, v3  }
0x96: {  	[tilespmem:s28+$0xFFFFFFC0] =	vst v2;
	v2 =	vld [tilespmem:s28+$0xFFFFFFD0]  }
0x97: {  	v3 =	vld [tilespmem:s26+$0xFFFFFFD0];
	_ =	sdelay $0x4  }
0x98: {  	vm9 =	veq.s32 v2, v3  }
0x99: {  	v2 =	vsel vm9, v63, v2  }
0x9a: {  	[tilespmem:s28+$0xFFFFFFD0] =	vst v2;
	v2 =	vld [tilespmem:s28+$0xFFFFFFE0]  }
0x9b: {  	v3 =	vld [tilespmem:s26+$0xFFFFFFE0];
	_ =	sdelay $0x4  }
0x9c: {  	vm10 =	veq.s32 v2, v3  }
0x9d: {  	v2 =	vsel vm10, v63, v2  }
0x9e: {  	[tilespmem:s28+$0xFFFFFFE0] =	vst v2;
	v2 =	vld [tilespmem:s28+$0xFFFFFFF0]  }
0x9f: {  	v3 =	vld [tilespmem:s26+$0xFFFFFFF0];
	_ =	sdelay $0x4  }
0xa0: {  	vm11 =	veq.s32 v2, v3  }
0xa1: {  	v2 =	vsel vm11, v63, v2  }
0xa2: {  	[tilespmem:s28+$0xFFFFFFF0] =	vst v2;
	v2 =	vld [tilespmem:s28+$0x0]  }
0xa3: {  	v3 =	vld [tilespmem:s26+$0x0];
	_ =	sdelay $0x4  }
0xa4: {  	vm12 =	veq.s32 v2, v3  }
0xa5: {  	v2 =	vsel vm12, v63, v2  }
0xa6: {  	[tilespmem:s28+$0x0] =	vst v2;
	v2 =	vld [tilespmem:s28+$0x10]  }
0xa7: {  	v3 =	vld [tilespmem:s26+$0x10];
	_ =	sdelay $0x4  }
0xa8: {  	vm13 =	veq.s32 v2, v3  }
0xa9: {  	v2 =	vsel vm13, v63, v2  }
0xaa: {  	[tilespmem:s28+$0x10] =	vst v2;
	v2 =	vld [tilespmem:s28+$0x20]  }
0xab: {  	v3 =	vld [tilespmem:s26+$0x20];
	_ =	sdelay $0x4  }
0xac: {  	vm14 =	veq.s32 v2, v3  }
0xad: {  	v2 =	vsel vm14, v63, v2  }
0xae: {  	[tilespmem:s28+$0x20] =	vst v2;
	v2 =	vld [tilespmem:s28+$0x30]  }
0xaf: {  	v3 =	vld [tilespmem:s26+$0x30];
	_ =	sdelay $0x4  }
0xb0: {  	vm15 =	veq.s32 v2, v3  }
0xb1: {  	v2 =	vsel vm15, v63, v2  }
0xb2: {  	[tilespmem:s28+$0x30] =	vst v2  }
0xb3: {  	[tilespmem:s15], [sflag:$0x1] =	stream.indirect.gather [hbm4b:s2+s18], $0x80, s17, s18, $0xb8;
	[tilespmem:$0x1E400] =	vst v63  }
0xb4: {  	_ = 	snop  }
0xb5: {  	[tilespmem:s20], [sflag:$0x2] =	stream.indirect.gather [hbm4b:s2+s18], $0x80, s19, s18, $0xb8;
	[tilespmem:$0x1E400] =	vst v63  }
0xb6: {  	_ =	swait.ge [sflag:s21], $0x4000  }
0xb7: {  	[sflag:s21] =	ssyncset.done $0x0  }
0xb8: {  	s29 =	simm.s32 $0x0;
	[sflag:s21] =	ssyncadd.s32 $0xFFFFC000  }
0xb9: {  	[spmem:s3] =	stream.indirect.scatter.add.f32 [tilespmem:s15], [sflag:$0x3], $0x80, s29, s18, $0xb8;
	[tilespmem:$0x1E400] =	vst v63  }
0xba: {  	_ =	swait.ge [sflag:s16], $0x4000  }
0xbb: {  	[sflag:s16] =	ssyncset.done $0x0  }
0xbc: {  	s30 =	simm.s32 $0x1500;
	[sflag:s16] =	ssyncadd.s32 $0xFFFFC000  }
0xbd: {  	[tilespmem:s15], [sflag:$0x1] =	stream.indirect.gather [hbm4b:s2+s18], $0x80, s30, s18, $0xb8;
	[tilespmem:$0x1E400] =	vst v63  }
0xbe: {  	_ =	swait.ge [sflag:s22], $0x4000  }
0xbf: {  	[sflag:s22] =	ssyncset.done $0x0  }
0xc0: {  	s31 =	simm.s32 $0x80;
	[sflag:s22] =	ssyncadd.s32 $0xFFFFC000  }
0xc1: {  	[spmem:s3] =	stream.indirect.scatter.add.f32 [tilespmem:s20], [sflag:$0x3], $0x80, s31, s18, $0xb8;
	[tilespmem:$0x1E400] =	vst v63  }
0xc2: {  	_ =	swait.ge [sflag:s16], $0x4000  }
0xc3: {  	[sflag:s16] =	ssyncset.done $0x0  }
0xc4: {  	s0 =	simm.s32 $0x1580;
	s26 =	simm.s32 $0x400;
	[sflag:s16] =	ssyncadd.s32 $0xFFFFC000  }
.LBB2_7:
0xc5: {  	[tilespmem:s20], [sflag:$0x2] =	stream.indirect.gather [hbm4b:s2+s18], $0x80, s0, s18, $0xb8;
	[tilespmem:$0x1E400] =	vst v63  }
0xc6: {  	s0 =	smov.u32 s26  }
0xc7: {  	p1 =	sne.s32 s26, $0x4800;
	s26 =	sadd.s32 $0x400, s26;
	_ =	swait.ge [sflag:s21], $0x4000  }
0xc8: {  	[sflag:s21] =	ssyncset.done $0x0  }
0xc9: {  	s0 =	sshra.s32 s0, $0x2;
	[sflag:s21] =	ssyncadd.s32 $0xFFFFC000  }
0xca: {  	[spmem:s3] =	stream.indirect.scatter.add.f32 [tilespmem:s15], [sflag:$0x3], $0x80, s0, s18, $0xb8;
	[tilespmem:$0x1E400] =	vst v63  }
0xcb: {  	_ =	swait.ge [sflag:s16], $0x4000  }
0xcc: {  	[sflag:s16] =	ssyncset.done $0x0  }
0xcd: {  	s28 =	sadd.s32 $0x1500, s0;
	[sflag:s16] =	ssyncadd.s32 $0xFFFFC000  }
0xce: {  	[tilespmem:s15], [sflag:$0x1] =	stream.indirect.gather [hbm4b:s2+s18], $0x80, s28, s18, $0xb8;
	[tilespmem:$0x1E400] =	vst v63  }
0xcf: {  	_ =	swait.ge [sflag:s22], $0x4000  }
0xd0: {  	[sflag:s22] =	ssyncset.done $0x0  }
.Ltmp2:
0xd1: {  	s28 =	sadd.s32 $0x80, s0;
	[sflag:s22] =	ssyncadd.s32 $0xFFFFC000;
	(pc) =	sbr.rel @p1 .LBB2_7-.Ltmp2, $4  }
0xd2: {  	[spmem:s3] =	stream.indirect.scatter.add.f32 [tilespmem:s20], [sflag:$0x3], $0x80, s28, s18, $0xb8;
	[tilespmem:$0x1E400] =	vst v63  }
0xd3: {  	_ =	swait.ge [sflag:s16], $0x4000  }
0xd4: {  	[sflag:s16] =	ssyncset.done $0x0  }
0xd5: {  	s0 =	sadd.s32 $0x1580, s0;
	[sflag:s16] =	ssyncadd.s32 $0xFFFFC000  }
0xd6: {  	[tilespmem:s20], [sflag:$0x2] =	stream.indirect.gather [hbm4b:s2+s18], $0x80, s0, s18, $0xb8;
	[tilespmem:$0x1E400] =	vst v63  }
0xd7: {  	_ =	swait.ge [sflag:s21], $0x4000  }
0xd8: {  	[sflag:s21] =	ssyncset.done $0x0  }
0xd9: {  	[sflag:s21] =	ssyncadd.s32 $0xFFFFC000  }
0xda: {  	[spmem:s3] =	stream.indirect.scatter.add.f32 [tilespmem:s15], [sflag:$0x3], $0x80, s23, s18, $0xb8;
	[tilespmem:$0x1E400] =	vst v63  }
0xdb: {  	_ =	swait.ge [sflag:s16], $0x4000  }
0xdc: {  	[sflag:s16] =	ssyncset.done $0x0  }
0xdd: {  	[sflag:s16] =	ssyncadd.s32 $0xFFFFC000  }
0xde: {  	_ =	swait.ge [sflag:s22], $0x4000  }
0xdf: {  	[sflag:s22] =	ssyncset.done $0x0  }
.Ltmp3:
0xe0: {  	[sflag:s22] =	ssyncadd.s32 $0xFFFFC000;
	(pc) =	sbr.rel @p0 .LBB2_4-.Ltmp3, $4  }
0xe1: {  	[spmem:s3] =	stream.indirect.scatter.add.f32 [tilespmem:s20], [sflag:$0x3], $0x80, s24, s18, $0xb8;
	[tilespmem:$0x1E400] =	vst v63  }
0xe2: {  	_ =	swait.ge [sflag:s16], $0x4000  }
0xe3: {  	[sflag:s16] =	ssyncset.done $0x0  }
0xe4: {  	s0 =	simm.s32 $0x28;
	p1 =	por $0x0, $0x0;
	[sflag:s16] =	ssyncadd.s32 $0xFFFFC000  }
0xe5: {  	s5 =	sadd.s32 $0x1, s5  }
0xe6: {  	s0 =	sshll.u32 s4, $0x6;
	[bflag:$0x0] =	sbarrier.arrive $0xFFFF;
	p0 =	sne.s32 s5, s14  }
.Ltmp4:
0xe7: {  	s25 =	sshrl.u32 s7, $0x3;
	s0 =	sor.u32 $0x1C03, s0;
	(pc) =	sbr.rel @p0 .LBB2_1-.Ltmp4, $4  }
0xe8: {  	[hbm:s13], [sflag:s0] =	dma.local [spmem:s25], $0x2780  }
0xe9: {  	_ =	swait.ge [sflag:s16], $0x2780  }
0xea: {  	[sflag:s16] =	ssyncset.done $0x0  }
0xeb: {  	[sflag:s16] =	ssyncadd.s32 $0xFFFFD880  }
0xec: {  	_ =	sfence.sel $0x180000  }
0xed: {  	[bflag:$0x0] =	sbarrier.arrive $0xFFFF  }
0xee: {  	_ =	strace $0x90000047  }
0xef: {  	[bflag:$0x2] =	sbarrier.arrive $0xFFFF  }
0xf0: {  	p0 =	sne.s32 s4, $0x0;
	s0 =	rddreg [dreg:$0x4]  }
0xf1: {  	s0 =	sadd.s32 @!p0 $0x100000, s0  }
0xf2: {  	[sflag:s0] =	ssyncadd.tile.s32 @!p0 $0x1;
	_ =	shalt  }
.Lfunc_end2:
_tile_overlayer_lowered:
.L_overlay_start_2:
0xf3: {  	(tag) =	ssettag $0x2  }
0xf4: {  	s0 =	rddreg [dreg:$0x0];
	s2 =	stileid.u32  }
0xf5: {  	s1 =	rddreg [dreg:$0x1];
	p0 =	sne.s32 s2, $0x0  }
0xf6: {  	s3 =	rddreg [dreg:$0x2];
	[bflag:$0x3] =	sbarrier.arrive $0xFFFF;
	s2 =	simm.s32 @!p0 $0x1C03  }
0xf7: {  	[timem:s3], [sflag:s2] =	dma.local @!p0 [hbm:s0], s1  }
0xf8: {  	s0 =	simm.s32 @!p0 $0x3  }
0xf9: {  	_ =	swait.ge @!p0 [sflag:s0], s1  }
0xfa: {  	s1 =	ssub.s32 @!p0 $0x0, s1;
	[sflag:s0] =	ssyncset.done @!p0 $0x0  }
0xfb: {  	[sflag:s0] =	ssyncadd.s32 @!p0 s1  }
0xfc: {  	[bflag:$0x3] =	sbarrier.arrive $0xFFFF  }
0xfd: {  	_ =	shalt  }

</sc_bundles>
